<compile_context>
chip_gen: v7x
topology: tpu7x:2x2x1
jax: 0.10.2.dev20260603
libtpu: 0.0.44.dev20260713+nightly
codegen_flags: <defaults>
</compile_context>

<pallas_src>
import functools

import jax
import jax.numpy as jnp
from jax import lax
from jax.experimental import pallas as pl
from jax.experimental.pallas import tpu as pltpu
from jax.experimental.pallas import tpu_sc as plsc

N_IN = 16
N_HID = 32
N_OUT = 8
LANES = 16
NUM_WORKERS = 32


def _sc_body(rows_per_worker, x_hbm, win_hbm, w0_hbm, w1_hbm, b_hbm, out_hbm,
             xv, winv, w0v, w1v, bv, ov, sem):
    pairs = rows_per_worker // 2
    wid = lax.axis_index("s") * 2 + lax.axis_index("c")
    base = wid * rows_per_worker

    cp_x = pltpu.async_copy(x_hbm.at[pl.ds(base, rows_per_worker)], xv, sem)
    cp_w = pltpu.async_copy(win_hbm, winv, sem)
    cp_0 = pltpu.async_copy(w0_hbm, w0v, sem)
    cp_1 = pltpu.async_copy(w1_hbm, w1v, sem)
    cp_b = pltpu.async_copy(b_hbm, bv.at[pl.ds(0, 56)], sem)
    cp_x.wait()
    cp_w.wait()
    cp_0.wait()
    cp_1.wait()
    cp_b.wait()

    lane = lax.iota(jnp.int32, LANES)
    g0 = lax.shift_right_logical(lane, 1)
    g1 = g0 + 8
    s8 = lax.bitwise_and(lane + 8, 15)
    g5 = lax.bitwise_and(lane + 5, 7)
    idxE = lax.bitwise_and(2 * lane, 15)
    idxO = lax.bitwise_and(2 * lane + 1, 15)
    lo_half = lane < 8

    _dnums = lax.GatherDimensionNumbers(
        offset_dims=(), collapsed_slice_dims=(0,), start_index_map=(0,)
    )

    def perm(v, idx):
        return lax.gather(
            v, idx[:, None], _dnums, (1,),
            mode=lax.GatherScatterMode.PROMISE_IN_BOUNDS,
        )

    win = winv[...]
    w0a = w0v[pl.ds(0, 16)]
    w0b = w0v[pl.ds(16, 16)]
    b_in = bv[pl.ds(0, 16)]
    ch0 = 2.0 * w0a * perm(win, g0)
    ch1 = 2.0 * w0b * perm(win, g1)
    bh0 = 2.0 * (perm(b_in, g0) * w0a + bv[pl.ds(16, 16)])
    bh1 = 2.0 * (perm(b_in, g1) * w0b + bv[pl.ds(32, 16)])
    w1a = w1v[pl.ds(0, 16)]
    w1b = w1v[pl.ds(16, 16)]
    w1c = w1v[pl.ds(32, 16)]
    w1d = w1v[pl.ds(48, 16)]
    cA0 = 2.0 * jnp.where(lo_half, perm(w1a, idxE), perm(w1b, idxE))
    cB0 = 2.0 * jnp.where(lo_half, perm(w1a, idxO), perm(w1b, idxO))
    cA1 = 2.0 * jnp.where(lo_half, perm(w1c, idxE), perm(w1d, idxE))
    cB1 = 2.0 * jnp.where(lo_half, perm(w1c, idxO), perm(w1d, idxO))
    bo2 = 2.0 * bv[pl.ds(40, 16)]

    def tanh2(p2):
        e = jnp.exp(jnp.minimum(p2, 30.0))
        return (e - 1.0) / (e + 1.0)

    def row_pre(r):
        h0 = tanh2(perm(r, g0) * ch0 + bh0)
        h1 = tanh2(perm(r, g1) * ch1 + bh1)
        tA = h0 * cA0 + h1 * cA1
        tB = h0 * cB0 + h1 * cB1
        uA = tA + perm(tA, s8)
        uB = tB + perm(tB, s8)
        return uA + perm(uB, g5) + bo2

    @plsc.parallel_loop(0, pairs, unroll=4)
    def _loop(i):
        ra = xv[2 * i]
        rb = xv[2 * i + 1]
        pa = row_pre(ra)
        pb = row_pre(rb)
        packed = jnp.where(lo_half, perm(pa, s8), pb)
        ov[pl.ds(i * (2 * N_OUT), LANES)] = tanh2(packed)

    pltpu.sync_copy(ov, out_hbm.at[pl.ds(base * N_OUT, rows_per_worker * N_OUT)])


def kernel(x, w_in, w0, w1, b, src0, dst0, src1, dst1):
    batch = x.shape[0]
    rows_per_worker = batch // NUM_WORKERS
    assert rows_per_worker * NUM_WORKERS == batch and rows_per_worker % 2 == 0

    mesh = plsc.VectorSubcoreMesh(core_axis_name="c", subcore_axis_name="s")
    f = pl.kernel(
        functools.partial(_sc_body, rows_per_worker),
        out_type=jax.ShapeDtypeStruct((batch * N_OUT,), jnp.float32),
        mesh=mesh,
        compiler_params=pltpu.CompilerParams(use_tc_tiling_on_sc=True),
        scratch_types=[
            pltpu.VMEM((rows_per_worker, N_IN), jnp.float32),
            pltpu.VMEM((LANES,), jnp.float32),
            pltpu.VMEM((2 * LANES,), jnp.float32),
            pltpu.VMEM((4 * LANES,), jnp.float32),
            pltpu.VMEM((64,), jnp.float32),
            pltpu.VMEM((rows_per_worker * N_OUT,), jnp.float32),
            pltpu.SemaphoreType.DMA,
        ],
    )
    out_flat = f(x, w_in, w0, w1, b)
    return out_flat.reshape(batch, N_OUT)

# --- scband reference (transcript-rebuilt; emitter-appended) ---
"""Pipeline reference for scband-dynamic-spherical-torch-3032246911173 (READ-ONLY COPY).

The authoritative reference and input builder live on the scoring server;
editing this copy changes nothing except your own understanding.
"""

import jax, jax.numpy as jnp
import numpy as np

N_IN = 16
N_HID = 32
N_OUT = 8
N_NODES = 56
BATCH = 16384


def _build_edges():
    # Layered DAG matching init_kwargs adjacency_dict:
    # inputs 0..15 -> hidden 16..47 (2 edges each), hidden -> outputs 48..55 (2 edges each)
    src0 = np.repeat(np.arange(N_IN), 2).astype(np.int64)
    dst0 = (16 + np.arange(2 * N_IN)).astype(np.int64)
    w0 = np.tile(np.array([0.5, -0.5], dtype=np.float32), N_IN)
    j = np.arange(N_HID)
    src1 = np.repeat(16 + j, 2).astype(np.int64)
    dst1 = np.stack([48 + (j % 8), 48 + ((j + 3) % 8)], axis=1).reshape(-1).astype(np.int64)
    w1 = np.tile(np.array([0.3, -0.3], dtype=np.float32), N_HID)
    return src0, dst0, w0, src1, dst1, w1


def setup_inputs(seed: int = 0):
    key = jax.random.key(seed)
    src0, dst0, w0, src1, dst1, w1 = _build_edges()
    x = jax.random.normal(key, (BATCH, N_IN), dtype=jnp.float32)
    return {
        'x': x,
        'w_in': jnp.ones((N_IN,), dtype=jnp.float32),  # input Linear(1,1) weights, init fill 1.0
        'w0': jnp.asarray(w0),  # per-edge scalar Linear(1,1) weights, step 0
        'w1': jnp.asarray(w1),  # per-edge scalar Linear(1,1) weights, step 1
        'b': jnp.full((N_NODES,), 0.1, dtype=jnp.float32),  # per-node biases
        'src0': jnp.asarray(src0),
        'dst0': jnp.asarray(dst0),
        'src1': jnp.asarray(src1),
        'dst1': jnp.asarray(dst1),
    }


def reference(x, w_in, w0, w1, b, src0, dst0, src1, dst1):
    # Input step: per-input Linear(1,1) (weight init 1.0) + bias + zero state, identity activation.
    states = jnp.zeros((x.shape[0], N_NODES), dtype=x.dtype)
    inp = x * w_in[None, :] + b[None, :N_IN]
    states = states.at[:, :N_IN].set(inp)
    # Compiled message-passing steps (edges_by_step): gather source states,
    # scale by per-edge scalar weights, scatter-add into destination nodes,
    # add bias + previous state, tanh activation only on receiving nodes.
    for src, dst, w in ((src0, dst0, w0), (src1, dst1, w1)):
        msg = states[:, src] * w[None, :]
        contrib = jnp.zeros_like(states).at[:, dst].add(msg)
        recv = jnp.zeros((N_NODES,), dtype=jnp.float32).at[dst].add(1.0) > 0
        new_states = jnp.tanh(contrib + b[None, :] + states)
        states = jnp.where(recv[None, :], new_states, states)
    # Output node states (nodes 48..55), stacked as [batch, n_out]
    return states[:, 48:56]

if __name__ == "__main__":
    import jax
    _d = setup_inputs()
    print(jax.jit(kernel)(*tuple(_d.values())))

</pallas_src>

<mosaic_0001>
#map = affine_map<(d0, d1) -> (0, 0)>
#map1 = affine_map<(d0, d1) -> (0)>
module attributes {stable_mosaic.version = 14 : i64} {
  func.func @_sc_body(%arg0: i32, %arg1: i32, %arg2: memref<16384x16xf32, #tpu.memory_space<hbm>>, %arg3: memref<16xf32, #tpu.memory_space<hbm>>, %arg4: memref<32xf32, #tpu.memory_space<hbm>>, %arg5: memref<64xf32, #tpu.memory_space<hbm>>, %arg6: memref<56xf32, #tpu.memory_space<hbm>>, %arg7: memref<131072xf32, #tpu.memory_space<hbm>>, %arg8: memref<512x16xf32, #tpu.memory_space<vmem>>, %arg9: memref<16xf32, #tpu.memory_space<vmem>>, %arg10: memref<32xf32, #tpu.memory_space<vmem>>, %arg11: memref<64xf32, #tpu.memory_space<vmem>>, %arg12: memref<64xf32, #tpu.memory_space<vmem>>, %arg13: memref<4096xf32, #tpu.memory_space<vmem>>, %arg14: memref<!tpu.dma_semaphore, #tpu.memory_space<semaphore_mem>>) attributes {dimension_semantics = [#tpu.dimension_semantics<core_parallel>, #tpu.dimension_semantics<subcore_parallel>], iteration_bounds = array<i64: 2, 16>, scalar_prefetch = 0 : i64, scratch_operands = 7 : i64, tpu.core_type = #tpu.core_type<sc_vector_subcore>, window_params = [{transform_indices = #map}, {transform_indices = #map1}, {transform_indices = #map1}, {transform_indices = #map1}, {transform_indices = #map1}, {transform_indices = #map1}]} {
    %mul3A = arith.constant 2 : i32
    %mul3A_0 = arith.muli %arg1, %mul3A : i32
    %add3A = arith.addi %mul3A_0, %arg0 : i32
    %mul3A_1 = arith.constant 512 : i32
    %mul3A_2 = arith.muli %add3A, %mul3A_1 : i32
    %dma_start3A = arith.constant 0 : i32
    %dma_start3A_3 = tpu.memref_slice %arg2[%mul3A_2, %dma_start3A] : memref<16384x16xf32, #tpu.memory_space<hbm>> -> memref<512x16xf32, #tpu.memory_space<hbm>>
    %dma_start3A_4 = arith.constant 0 : i32
    %dma_start3A_5 = tpu.memref_slice %arg2[%mul3A_2, %dma_start3A_4] : memref<16384x16xf32, #tpu.memory_space<hbm>> -> memref<512x16xf32, #tpu.memory_space<hbm>>
    tpu.enqueue_dma source(%dma_start3A_5 : memref<512x16xf32, #tpu.memory_space<hbm>>) target(%arg8 : memref<512x16xf32, #tpu.memory_space<vmem>>) target_semaphore(%arg14 : memref<!tpu.dma_semaphore, #tpu.memory_space<semaphore_mem>>)
    tpu.enqueue_dma source(%arg3 : memref<16xf32, #tpu.memory_space<hbm>>) target(%arg9 : memref<16xf32, #tpu.memory_space<vmem>>) target_semaphore(%arg14 : memref<!tpu.dma_semaphore, #tpu.memory_space<semaphore_mem>>)
    tpu.enqueue_dma source(%arg4 : memref<32xf32, #tpu.memory_space<hbm>>) target(%arg10 : memref<32xf32, #tpu.memory_space<vmem>>) target_semaphore(%arg14 : memref<!tpu.dma_semaphore, #tpu.memory_space<semaphore_mem>>)
    tpu.enqueue_dma source(%arg5 : memref<64xf32, #tpu.memory_space<hbm>>) target(%arg11 : memref<64xf32, #tpu.memory_space<vmem>>) target_semaphore(%arg14 : memref<!tpu.dma_semaphore, #tpu.memory_space<semaphore_mem>>)
    %dma_start3A_6 = arith.constant 0 : i32
    %dma_start3A_7 = tpu.memref_slice %arg12[%dma_start3A_6] : memref<64xf32, #tpu.memory_space<vmem>> -> memref<56xf32, #tpu.memory_space<vmem>>
    %dma_start3A_8 = arith.constant 0 : i32
    %dma_start3A_9 = tpu.memref_slice %arg12[%dma_start3A_8] : memref<64xf32, #tpu.memory_space<vmem>> -> memref<56xf32, #tpu.memory_space<vmem>>
    tpu.enqueue_dma source(%arg6 : memref<56xf32, #tpu.memory_space<hbm>>) target(%dma_start3A_9 : memref<56xf32, #tpu.memory_space<vmem>>) target_semaphore(%arg14 : memref<!tpu.dma_semaphore, #tpu.memory_space<semaphore_mem>>)
    %dma_wait3A = arith.constant 0 : i32
    %dma_wait3A_10 = tpu.memref_slice %arg2[%mul3A_2, %dma_wait3A] : memref<16384x16xf32, #tpu.memory_space<hbm>> -> memref<512x16xf32, #tpu.memory_space<hbm>>
    %dma_wait3A_11 = arith.constant 0 : i32
    %dma_wait3A_12 = tpu.memref_slice %arg2[%mul3A_2, %dma_wait3A_11] : memref<16384x16xf32, #tpu.memory_space<hbm>> -> memref<512x16xf32, #tpu.memory_space<hbm>>
    tpu.wait_dma2 semaphore(%arg14 : memref<!tpu.dma_semaphore, #tpu.memory_space<semaphore_mem>>) src(%dma_wait3A_12 : memref<512x16xf32, #tpu.memory_space<hbm>>) dst(%arg8 : memref<512x16xf32, #tpu.memory_space<vmem>>)
    tpu.wait_dma2 semaphore(%arg14 : memref<!tpu.dma_semaphore, #tpu.memory_space<semaphore_mem>>) src(%arg3 : memref<16xf32, #tpu.memory_space<hbm>>) dst(%arg9 : memref<16xf32, #tpu.memory_space<vmem>>)
    tpu.wait_dma2 semaphore(%arg14 : memref<!tpu.dma_semaphore, #tpu.memory_space<semaphore_mem>>) src(%arg4 : memref<32xf32, #tpu.memory_space<hbm>>) dst(%arg10 : memref<32xf32, #tpu.memory_space<vmem>>)
    tpu.wait_dma2 semaphore(%arg14 : memref<!tpu.dma_semaphore, #tpu.memory_space<semaphore_mem>>) src(%arg5 : memref<64xf32, #tpu.memory_space<hbm>>) dst(%arg11 : memref<64xf32, #tpu.memory_space<vmem>>)
    %dma_wait3A_13 = arith.constant 0 : i32
    %dma_wait3A_14 = tpu.memref_slice %arg12[%dma_wait3A_13] : memref<64xf32, #tpu.memory_space<vmem>> -> memref<56xf32, #tpu.memory_space<vmem>>
    %dma_wait3A_15 = arith.constant 0 : i32
    %dma_wait3A_16 = tpu.memref_slice %arg12[%dma_wait3A_15] : memref<64xf32, #tpu.memory_space<vmem>> -> memref<56xf32, #tpu.memory_space<vmem>>
    tpu.wait_dma2 semaphore(%arg14 : memref<!tpu.dma_semaphore, #tpu.memory_space<semaphore_mem>>) src(%arg6 : memref<56xf32, #tpu.memory_space<hbm>>) dst(%dma_wait3A_16 : memref<56xf32, #tpu.memory_space<vmem>>)
    %iota3A = tpu.iota {dimensions = array<i32: 0>} : vector<16xi32>
    %shift_right_logical3A = arith.constant 1 : i32
    %shift_right_logical3A_17 = vector.broadcast %shift_right_logical3A : i32 to vector<16xi32>
    %shift_right_logical3A_18 = arith.shrui %iota3A, %shift_right_logical3A_17 : vector<16xi32>
    %add3A_19 = arith.constant 8 : i32
    %add3A_20 = vector.broadcast %add3A_19 : i32 to vector<16xi32>
    %add3A_21 = arith.addi %shift_right_logical3A_18, %add3A_20 : vector<16xi32>
    %add3A_22 = arith.constant 8 : i32
    %add3A_23 = vector.broadcast %add3A_22 : i32 to vector<16xi32>
    %add3A_24 = arith.addi %iota3A, %add3A_23 : vector<16xi32>
    %and3A = arith.constant 15 : i32
    %and3A_25 = vector.broadcast %and3A : i32 to vector<16xi32>
    %and3A_26 = arith.andi %add3A_24, %and3A_25 : vector<16xi32>
    %add3A_27 = arith.constant 5 : i32
    %add3A_28 = vector.broadcast %add3A_27 : i32 to vector<16xi32>
    %add3A_29 = arith.addi %iota3A, %add3A_28 : vector<16xi32>
    %and3A_30 = arith.constant 7 : i32
    %and3A_31 = vector.broadcast %and3A_30 : i32 to vector<16xi32>
    %and3A_32 = arith.andi %add3A_29, %and3A_31 : vector<16xi32>
    %mul3A_33 = arith.constant 2 : i32
    %mul3A_34 = vector.broadcast %mul3A_33 : i32 to vector<16xi32>
    %mul3A_35 = arith.muli %mul3A_34, %iota3A : vector<16xi32>
    %and3A_36 = arith.constant 15 : i32
    %and3A_37 = vector.broadcast %and3A_36 : i32 to vector<16xi32>
    %and3A_38 = arith.andi %mul3A_35, %and3A_37 : vector<16xi32>
    %mul3A_39 = arith.constant 2 : i32
    %mul3A_40 = vector.broadcast %mul3A_39 : i32 to vector<16xi32>
    %mul3A_41 = arith.muli %mul3A_40, %iota3A : vector<16xi32>
    %add3A_42 = arith.constant 1 : i32
    %add3A_43 = vector.broadcast %add3A_42 : i32 to vector<16xi32>
    %add3A_44 = arith.addi %mul3A_41, %add3A_43 : vector<16xi32>
    %and3A_45 = arith.constant 15 : i32
    %and3A_46 = vector.broadcast %and3A_45 : i32 to vector<16xi32>
    %and3A_47 = arith.andi %add3A_44, %and3A_46 : vector<16xi32>
    %lt3A = arith.constant 8 : i32
    %lt3A_48 = vector.broadcast %lt3A : i32 to vector<16xi32>
    %lt3A_49 = arith.cmpi slt, %iota3A, %lt3A_48 : vector<16xi32>
    %get3A = arith.constant 0 : index
    %get3A_50 = tpu.vector_load %arg9[%get3A] {strides = array<i32>} : memref<16xf32, #tpu.memory_space<vmem>>, vector<16xf32>,
    %get3A_51 = vector.shape_cast %get3A_50 : vector<16xf32> to vector<16xf32>
    %get3A_52 = arith.constant 0 : index
    %get3A_53 = tpu.vector_load %arg10[%get3A_52] {strides = array<i32>} : memref<32xf32, #tpu.memory_space<vmem>>, vector<16xf32>,
    %get3A_54 = vector.shape_cast %get3A_53 : vector<16xf32> to vector<16xf32>
    %get3A_55 = arith.constant 16 : index
    %get3A_56 = tpu.vector_load %arg10[%get3A_55] {strides = array<i32>} : memref<32xf32, #tpu.memory_space<vmem>>, vector<16xf32>,
    %get3A_57 = vector.shape_cast %get3A_56 : vector<16xf32> to vector<16xf32>
    %get3A_58 = arith.constant 0 : index
    %get3A_59 = tpu.vector_load %arg12[%get3A_58] {strides = array<i32>} : memref<64xf32, #tpu.memory_space<vmem>>, vector<16xf32>,
    %get3A_60 = vector.shape_cast %get3A_59 : vector<16xf32> to vector<16xf32>
    %mul3A_61 = arith.constant 2.000000e+00 : f32
    %mul3A_62 = vector.broadcast %mul3A_61 : f32 to vector<16xf32>
    %mul3A_63 = arith.mulf %mul3A_62, %get3A_54 : vector<16xf32>
    %broadcast_in_dim3A = vector.shape_cast %shift_right_logical3A_18 : vector<16xi32> to vector<16x1xi32>
    %gather3A = vector.shape_cast %broadcast_in_dim3A : vector<16x1xi32> to vector<16xi32>
    %gather3A_64 = tpu.dynamic_gather %get3A_51[%gather3A] in [0] : vector<16xf32>, vector<16xi32> -> vector<16xf32>
    %mul3A_65 = arith.mulf %mul3A_63, %gather3A_64 : vector<16xf32>
    %mul3A_66 = arith.constant 2.000000e+00 : f32
    %mul3A_67 = vector.broadcast %mul3A_66 : f32 to vector<16xf32>
    %mul3A_68 = arith.mulf %mul3A_67, %get3A_57 : vector<16xf32>
    %broadcast_in_dim3A_69 = vector.shape_cast %add3A_21 : vector<16xi32> to vector<16x1xi32>
    %gather3A_70 = vector.shape_cast %broadcast_in_dim3A_69 : vector<16x1xi32> to vector<16xi32>
    %gather3A_71 = tpu.dynamic_gather %get3A_51[%gather3A_70] in [0] : vector<16xf32>, vector<16xi32> -> vector<16xf32>
    %mul3A_72 = arith.mulf %mul3A_68, %gather3A_71 : vector<16xf32>
    %broadcast_in_dim3A_73 = vector.shape_cast %shift_right_logical3A_18 : vector<16xi32> to vector<16x1xi32>
    %gather3A_74 = vector.shape_cast %broadcast_in_dim3A_73 : vector<16x1xi32> to vector<16xi32>
    %gather3A_75 = tpu.dynamic_gather %get3A_60[%gather3A_74] in [0] : vector<16xf32>, vector<16xi32> -> vector<16xf32>
    %mul3A_76 = arith.mulf %gather3A_75, %get3A_54 : vector<16xf32>
    %get3A_77 = arith.constant 16 : index
    %get3A_78 = tpu.vector_load %arg12[%get3A_77] {strides = array<i32>} : memref<64xf32, #tpu.memory_space<vmem>>, vector<16xf32>,
    %get3A_79 = vector.shape_cast %get3A_78 : vector<16xf32> to vector<16xf32>
    %add3A_80 = arith.addf %mul3A_76, %get3A_79 : vector<16xf32>
    %mul3A_81 = arith.constant 2.000000e+00 : f32
    %mul3A_82 = vector.broadcast %mul3A_81 : f32 to vector<16xf32>
    %mul3A_83 = arith.mulf %mul3A_82, %add3A_80 : vector<16xf32>
    %broadcast_in_dim3A_84 = vector.shape_cast %add3A_21 : vector<16xi32> to vector<16x1xi32>
    %gather3A_85 = vector.shape_cast %broadcast_in_dim3A_84 : vector<16x1xi32> to vector<16xi32>
    %gather3A_86 = tpu.dynamic_gather %get3A_60[%gather3A_85] in [0] : vector<16xf32>, vector<16xi32> -> vector<16xf32>
    %mul3A_87 = arith.mulf %gather3A_86, %get3A_57 : vector<16xf32>
    %get3A_88 = arith.constant 32 : index
    %get3A_89 = tpu.vector_load %arg12[%get3A_88] {strides = array<i32>} : memref<64xf32, #tpu.memory_space<vmem>>, vector<16xf32>,
    %get3A_90 = vector.shape_cast %get3A_89 : vector<16xf32> to vector<16xf32>
    %add3A_91 = arith.addf %mul3A_87, %get3A_90 : vector<16xf32>
    %mul3A_92 = arith.constant 2.000000e+00 : f32
    %mul3A_93 = vector.broadcast %mul3A_92 : f32 to vector<16xf32>
    %mul3A_94 = arith.mulf %mul3A_93, %add3A_91 : vector<16xf32>
    %get3A_95 = arith.constant 0 : index
    %get3A_96 = tpu.vector_load %arg11[%get3A_95] {strides = array<i32>} : memref<64xf32, #tpu.memory_space<vmem>>, vector<16xf32>,
    %get3A_97 = vector.shape_cast %get3A_96 : vector<16xf32> to vector<16xf32>
    %get3A_98 = arith.constant 16 : index
    %get3A_99 = tpu.vector_load %arg11[%get3A_98] {strides = array<i32>} : memref<64xf32, #tpu.memory_space<vmem>>, vector<16xf32>,
    %get3A_100 = vector.shape_cast %get3A_99 : vector<16xf32> to vector<16xf32>
    %get3A_101 = arith.constant 32 : index
    %get3A_102 = tpu.vector_load %arg11[%get3A_101] {strides = array<i32>} : memref<64xf32, #tpu.memory_space<vmem>>, vector<16xf32>,
    %get3A_103 = vector.shape_cast %get3A_102 : vector<16xf32> to vector<16xf32>
    %get3A_104 = arith.constant 48 : index
    %get3A_105 = tpu.vector_load %arg11[%get3A_104] {strides = array<i32>} : memref<64xf32, #tpu.memory_space<vmem>>, vector<16xf32>,
    %get3A_106 = vector.shape_cast %get3A_105 : vector<16xf32> to vector<16xf32>
    %broadcast_in_dim3A_107 = vector.shape_cast %and3A_38 : vector<16xi32> to vector<16x1xi32>
    %gather3A_108 = vector.shape_cast %broadcast_in_dim3A_107 : vector<16x1xi32> to vector<16xi32>
    %gather3A_109 = tpu.dynamic_gather %get3A_97[%gather3A_108] in [0] : vector<16xf32>, vector<16xi32> -> vector<16xf32>
    %broadcast_in_dim3A_110 = vector.shape_cast %and3A_38 : vector<16xi32> to vector<16x1xi32>
    %gather3A_111 = vector.shape_cast %broadcast_in_dim3A_110 : vector<16x1xi32> to vector<16xi32>
    %gather3A_112 = tpu.dynamic_gather %get3A_100[%gather3A_111] in [0] : vector<16xf32>, vector<16xi32> -> vector<16xf32>
    %select_n3A = arith.select %lt3A_49, %gather3A_109, %gather3A_112 : vector<16xi1>, vector<16xf32>
    %mul3A_113 = arith.constant 2.000000e+00 : f32
    %mul3A_114 = vector.broadcast %mul3A_113 : f32 to vector<16xf32>
    %mul3A_115 = arith.mulf %mul3A_114, %select_n3A : vector<16xf32>
    %broadcast_in_dim3A_116 = vector.shape_cast %and3A_47 : vector<16xi32> to vector<16x1xi32>
    %gather3A_117 = vector.shape_cast %broadcast_in_dim3A_116 : vector<16x1xi32> to vector<16xi32>
    %gather3A_118 = tpu.dynamic_gather %get3A_97[%gather3A_117] in [0] : vector<16xf32>, vector<16xi32> -> vector<16xf32>
    %broadcast_in_dim3A_119 = vector.shape_cast %and3A_47 : vector<16xi32> to vector<16x1xi32>
    %gather3A_120 = vector.shape_cast %broadcast_in_dim3A_119 : vector<16x1xi32> to vector<16xi32>
    %gather3A_121 = tpu.dynamic_gather %get3A_100[%gather3A_120] in [0] : vector<16xf32>, vector<16xi32> -> vector<16xf32>
    %select_n3A_122 = arith.select %lt3A_49, %gather3A_118, %gather3A_121 : vector<16xi1>, vector<16xf32>
    %mul3A_123 = arith.constant 2.000000e+00 : f32
    %mul3A_124 = vector.broadcast %mul3A_123 : f32 to vector<16xf32>
    %mul3A_125 = arith.mulf %mul3A_124, %select_n3A_122 : vector<16xf32>
    %broadcast_in_dim3A_126 = vector.shape_cast %and3A_38 : vector<16xi32> to vector<16x1xi32>
    %gather3A_127 = vector.shape_cast %broadcast_in_dim3A_126 : vector<16x1xi32> to vector<16xi32>
    %gather3A_128 = tpu.dynamic_gather %get3A_103[%gather3A_127] in [0] : vector<16xf32>, vector<16xi32> -> vector<16xf32>
    %broadcast_in_dim3A_129 = vector.shape_cast %and3A_38 : vector<16xi32> to vector<16x1xi32>
    %gather3A_130 = vector.shape_cast %broadcast_in_dim3A_129 : vector<16x1xi32> to vector<16xi32>
    %gather3A_131 = tpu.dynamic_gather %get3A_106[%gather3A_130] in [0] : vector<16xf32>, vector<16xi32> -> vector<16xf32>
    %select_n3A_132 = arith.select %lt3A_49, %gather3A_128, %gather3A_131 : vector<16xi1>, vector<16xf32>
    %mul3A_133 = arith.constant 2.000000e+00 : f32
    %mul3A_134 = vector.broadcast %mul3A_133 : f32 to vector<16xf32>
    %mul3A_135 = arith.mulf %mul3A_134, %select_n3A_132 : vector<16xf32>
    %broadcast_in_dim3A_136 = vector.shape_cast %and3A_47 : vector<16xi32> to vector<16x1xi32>
    %gather3A_137 = vector.shape_cast %broadcast_in_dim3A_136 : vector<16x1xi32> to vector<16xi32>
    %gather3A_138 = tpu.dynamic_gather %get3A_103[%gather3A_137] in [0] : vector<16xf32>, vector<16xi32> -> vector<16xf32>
    %broadcast_in_dim3A_139 = vector.shape_cast %and3A_47 : vector<16xi32> to vector<16x1xi32>
    %gather3A_140 = vector.shape_cast %broadcast_in_dim3A_139 : vector<16x1xi32> to vector<16xi32>
    %gather3A_141 = tpu.dynamic_gather %get3A_106[%gather3A_140] in [0] : vector<16xf32>, vector<16xi32> -> vector<16xf32>
    %select_n3A_142 = arith.select %lt3A_49, %gather3A_138, %gather3A_141 : vector<16xi1>, vector<16xf32>
    %mul3A_143 = arith.constant 2.000000e+00 : f32
    %mul3A_144 = vector.broadcast %mul3A_143 : f32 to vector<16xf32>
    %mul3A_145 = arith.mulf %mul3A_144, %select_n3A_142 : vector<16xf32>
    %get3A_146 = arith.constant 40 : index
    %get3A_147 = tpu.vector_load %arg12[%get3A_146] {strides = array<i32>} : memref<64xf32, #tpu.memory_space<vmem>>, vector<16xf32>,
    %get3A_148 = vector.shape_cast %get3A_147 : vector<16xf32> to vector<16xf32>
    %mul3A_149 = arith.constant 2.000000e+00 : f32
    %mul3A_150 = vector.broadcast %mul3A_149 : f32 to vector<16xf32>
    %mul3A_151 = arith.mulf %mul3A_150, %get3A_148 : vector<16xf32>
    %parallel_loop3A = arith.constant 0 : i32
    %parallel_loop3A_152 = arith.constant 256 : i32
    %parallel_loop3A_153 = arith.constant 1 : i32
    scf.for %parallel_loop3A_156 = %parallel_loop3A to %parallel_loop3A_152 step %parallel_loop3A_153  : i32 {
      %parallel_loop3A_157 = arith.constant 2 : i32
      %parallel_loop3A_158 = arith.muli %parallel_loop3A_157, %parallel_loop3A_156 : i32
      %parallel_loop3A_159 = arith.index_cast %parallel_loop3A_158 : i32 to index
      %parallel_loop3A_160 = arith.constant 0 : index
      %parallel_loop3A_161 = tpu.vector_load %arg8[%parallel_loop3A_159, %parallel_loop3A_160] {strides = array<i32>} : memref<512x16xf32, #tpu.memory_space<vmem>>, vector<1x16xf32>,
      %parallel_loop3A_162 = vector.shape_cast %parallel_loop3A_161 : vector<1x16xf32> to vector<16xf32>
      %parallel_loop3A_163 = arith.constant 2 : i32
      %parallel_loop3A_164 = arith.muli %parallel_loop3A_163, %parallel_loop3A_156 : i32
      %parallel_loop3A_165 = arith.constant 1 : i32
      %parallel_loop3A_166 = arith.addi %parallel_loop3A_164, %parallel_loop3A_165 : i32
      %parallel_loop3A_167 = arith.index_cast %parallel_loop3A_166 : i32 to index
      %parallel_loop3A_168 = arith.constant 0 : index
      %parallel_loop3A_169 = tpu.vector_load %arg8[%parallel_loop3A_167, %parallel_loop3A_168] {strides = array<i32>} : memref<512x16xf32, #tpu.memory_space<vmem>>, vector<1x16xf32>,
      %parallel_loop3A_170 = vector.shape_cast %parallel_loop3A_169 : vector<1x16xf32> to vector<16xf32>
      %parallel_loop3A_171 = vector.shape_cast %shift_right_logical3A_18 : vector<16xi32> to vector<16x1xi32>
      %parallel_loop3A_172 = vector.shape_cast %parallel_loop3A_171 : vector<16x1xi32> to vector<16xi32>
      %parallel_loop3A_173 = tpu.dynamic_gather %parallel_loop3A_162[%parallel_loop3A_172] in [0] : vector<16xf32>, vector<16xi32> -> vector<16xf32>
      %parallel_loop3A_174 = arith.mulf %parallel_loop3A_173, %mul3A_65 : vector<16xf32>
      %parallel_loop3A_175 = arith.addf %parallel_loop3A_174, %mul3A_83 : vector<16xf32>
      %parallel_loop3A_176 = arith.constant 3.000000e+01 : f32
      %parallel_loop3A_177 = vector.broadcast %parallel_loop3A_176 : f32 to vector<16xf32>
      %parallel_loop3A_178 = arith.minimumf %parallel_loop3A_175, %parallel_loop3A_177 : vector<16xf32>
      %parallel_loop3A_179 = math.exp %parallel_loop3A_178 : vector<16xf32>
      %parallel_loop3A_180 = arith.constant 1.000000e+00 : f32
      %parallel_loop3A_181 = vector.broadcast %parallel_loop3A_180 : f32 to vector<16xf32>
      %parallel_loop3A_182 = arith.subf %parallel_loop3A_179, %parallel_loop3A_181 : vector<16xf32>
      %parallel_loop3A_183 = arith.constant 1.000000e+00 : f32
      %parallel_loop3A_184 = vector.broadcast %parallel_loop3A_183 : f32 to vector<16xf32>
      %parallel_loop3A_185 = arith.addf %parallel_loop3A_179, %parallel_loop3A_184 : vector<16xf32>
      %parallel_loop3A_186 = arith.divf %parallel_loop3A_182, %parallel_loop3A_185 : vector<16xf32>
      %parallel_loop3A_187 = vector.shape_cast %add3A_21 : vector<16xi32> to vector<16x1xi32>
      %parallel_loop3A_188 = vector.shape_cast %parallel_loop3A_187 : vector<16x1xi32> to vector<16xi32>
      %parallel_loop3A_189 = tpu.dynamic_gather %parallel_loop3A_162[%parallel_loop3A_188] in [0] : vector<16xf32>, vector<16xi32> -> vector<16xf32>
      %parallel_loop3A_190 = arith.mulf %parallel_loop3A_189, %mul3A_72 : vector<16xf32>
      %parallel_loop3A_191 = arith.addf %parallel_loop3A_190, %mul3A_94 : vector<16xf32>
      %parallel_loop3A_192 = arith.constant 3.000000e+01 : f32
      %parallel_loop3A_193 = vector.broadcast %parallel_loop3A_192 : f32 to vector<16xf32>
      %parallel_loop3A_194 = arith.minimumf %parallel_loop3A_191, %parallel_loop3A_193 : vector<16xf32>
      %parallel_loop3A_195 = math.exp %parallel_loop3A_194 : vector<16xf32>
      %parallel_loop3A_196 = arith.constant 1.000000e+00 : f32
      %parallel_loop3A_197 = vector.broadcast %parallel_loop3A_196 : f32 to vector<16xf32>
      %parallel_loop3A_198 = arith.subf %parallel_loop3A_195, %parallel_loop3A_197 : vector<16xf32>
      %parallel_loop3A_199 = arith.constant 1.000000e+00 : f32
      %parallel_loop3A_200 = vector.broadcast %parallel_loop3A_199 : f32 to vector<16xf32>
      %parallel_loop3A_201 = arith.addf %parallel_loop3A_195, %parallel_loop3A_200 : vector<16xf32>
      %parallel_loop3A_202 = arith.divf %parallel_loop3A_198, %parallel_loop3A_201 : vector<16xf32>
      %parallel_loop3A_203 = arith.mulf %parallel_loop3A_186, %mul3A_115 : vector<16xf32>
      %parallel_loop3A_204 = arith.mulf %parallel_loop3A_202, %mul3A_135 : vector<16xf32>
      %parallel_loop3A_205 = arith.addf %parallel_loop3A_203, %parallel_loop3A_204 : vector<16xf32>
      %parallel_loop3A_206 = arith.mulf %parallel_loop3A_186, %mul3A_125 : vector<16xf32>
      %parallel_loop3A_207 = arith.mulf %parallel_loop3A_202, %mul3A_145 : vector<16xf32>
      %parallel_loop3A_208 = arith.addf %parallel_loop3A_206, %parallel_loop3A_207 : vector<16xf32>
      %parallel_loop3A_209 = vector.shape_cast %and3A_26 : vector<16xi32> to vector<16x1xi32>
      %parallel_loop3A_210 = vector.shape_cast %parallel_loop3A_209 : vector<16x1xi32> to vector<16xi32>
      %parallel_loop3A_211 = tpu.dynamic_gather %parallel_loop3A_205[%parallel_loop3A_210] in [0] : vector<16xf32>, vector<16xi32> -> vector<16xf32>
      %parallel_loop3A_212 = arith.addf %parallel_loop3A_205, %parallel_loop3A_211 : vector<16xf32>
      %parallel_loop3A_213 = vector.shape_cast %and3A_26 : vector<16xi32> to vector<16x1xi32>
      %parallel_loop3A_214 = vector.shape_cast %parallel_loop3A_213 : vector<16x1xi32> to vector<16xi32>
      %parallel_loop3A_215 = tpu.dynamic_gather %parallel_loop3A_208[%parallel_loop3A_214] in [0] : vector<16xf32>, vector<16xi32> -> vector<16xf32>
      %parallel_loop3A_216 = arith.addf %parallel_loop3A_208, %parallel_loop3A_215 : vector<16xf32>
      %parallel_loop3A_217 = vector.shape_cast %and3A_32 : vector<16xi32> to vector<16x1xi32>
      %parallel_loop3A_218 = vector.shape_cast %parallel_loop3A_217 : vector<16x1xi32> to vector<16xi32>
      %parallel_loop3A_219 = tpu.dynamic_gather %parallel_loop3A_216[%parallel_loop3A_218] in [0] : vector<16xf32>, vector<16xi32> -> vector<16xf32>
      %parallel_loop3A_220 = arith.addf %parallel_loop3A_212, %parallel_loop3A_219 : vector<16xf32>
      %parallel_loop3A_221 = arith.addf %parallel_loop3A_220, %mul3A_151 : vector<16xf32>
      %parallel_loop3A_222 = vector.shape_cast %shift_right_logical3A_18 : vector<16xi32> to vector<16x1xi32>
      %parallel_loop3A_223 = vector.shape_cast %parallel_loop3A_222 : vector<16x1xi32> to vector<16xi32>
      %parallel_loop3A_224 = tpu.dynamic_gather %parallel_loop3A_170[%parallel_loop3A_223] in [0] : vector<16xf32>, vector<16xi32> -> vector<16xf32>
      %parallel_loop3A_225 = arith.mulf %parallel_loop3A_224, %mul3A_65 : vector<16xf32>
      %parallel_loop3A_226 = arith.addf %parallel_loop3A_225, %mul3A_83 : vector<16xf32>
      %parallel_loop3A_227 = arith.constant 3.000000e+01 : f32
      %parallel_loop3A_228 = vector.broadcast %parallel_loop3A_227 : f32 to vector<16xf32>
      %parallel_loop3A_229 = arith.minimumf %parallel_loop3A_226, %parallel_loop3A_228 : vector<16xf32>
      %parallel_loop3A_230 = math.exp %parallel_loop3A_229 : vector<16xf32>
      %parallel_loop3A_231 = arith.constant 1.000000e+00 : f32
      %parallel_loop3A_232 = vector.broadcast %parallel_loop3A_231 : f32 to vector<16xf32>
      %parallel_loop3A_233 = arith.subf %parallel_loop3A_230, %parallel_loop3A_232 : vector<16xf32>
      %parallel_loop3A_234 = arith.constant 1.000000e+00 : f32
      %parallel_loop3A_235 = vector.broadcast %parallel_loop3A_234 : f32 to vector<16xf32>
      %parallel_loop3A_236 = arith.addf %parallel_loop3A_230, %parallel_loop3A_235 : vector<16xf32>
      %parallel_loop3A_237 = arith.divf %parallel_loop3A_233, %parallel_loop3A_236 : vector<16xf32>
      %parallel_loop3A_238 = vector.shape_cast %add3A_21 : vector<16xi32> to vector<16x1xi32>
      %parallel_loop3A_239 = vector.shape_cast %parallel_loop3A_238 : vector<16x1xi32> to vector<16xi32>
      %parallel_loop3A_240 = tpu.dynamic_gather %parallel_loop3A_170[%parallel_loop3A_239] in [0] : vector<16xf32>, vector<16xi32> -> vector<16xf32>
      %parallel_loop3A_241 = arith.mulf %parallel_loop3A_240, %mul3A_72 : vector<16xf32>
      %parallel_loop3A_242 = arith.addf %parallel_loop3A_241, %mul3A_94 : vector<16xf32>
      %parallel_loop3A_243 = arith.constant 3.000000e+01 : f32
      %parallel_loop3A_244 = vector.broadcast %parallel_loop3A_243 : f32 to vector<16xf32>
      %parallel_loop3A_245 = arith.minimumf %parallel_loop3A_242, %parallel_loop3A_244 : vector<16xf32>
      %parallel_loop3A_246 = math.exp %parallel_loop3A_245 : vector<16xf32>
      %parallel_loop3A_247 = arith.constant 1.000000e+00 : f32
      %parallel_loop3A_248 = vector.broadcast %parallel_loop3A_247 : f32 to vector<16xf32>
      %parallel_loop3A_249 = arith.subf %parallel_loop3A_246, %parallel_loop3A_248 : vector<16xf32>
      %parallel_loop3A_250 = arith.constant 1.000000e+00 : f32
      %parallel_loop3A_251 = vector.broadcast %parallel_loop3A_250 : f32 to vector<16xf32>
      %parallel_loop3A_252 = arith.addf %parallel_loop3A_246, %parallel_loop3A_251 : vector<16xf32>
      %parallel_loop3A_253 = arith.divf %parallel_loop3A_249, %parallel_loop3A_252 : vector<16xf32>
      %parallel_loop3A_254 = arith.mulf %parallel_loop3A_237, %mul3A_115 : vector<16xf32>
      %parallel_loop3A_255 = arith.mulf %parallel_loop3A_253, %mul3A_135 : vector<16xf32>
      %parallel_loop3A_256 = arith.addf %parallel_loop3A_254, %parallel_loop3A_255 : vector<16xf32>
      %parallel_loop3A_257 = arith.mulf %parallel_loop3A_237, %mul3A_125 : vector<16xf32>
      %parallel_loop3A_258 = arith.mulf %parallel_loop3A_253, %mul3A_145 : vector<16xf32>
      %parallel_loop3A_259 = arith.addf %parallel_loop3A_257, %parallel_loop3A_258 : vector<16xf32>
      %parallel_loop3A_260 = vector.shape_cast %and3A_26 : vector<16xi32> to vector<16x1xi32>
      %parallel_loop3A_261 = vector.shape_cast %parallel_loop3A_260 : vector<16x1xi32> to vector<16xi32>
      %parallel_loop3A_262 = tpu.dynamic_gather %parallel_loop3A_256[%parallel_loop3A_261] in [0] : vector<16xf32>, vector<16xi32> -> vector<16xf32>
      %parallel_loop3A_263 = arith.addf %parallel_loop3A_256, %parallel_loop3A_262 : vector<16xf32>
      %parallel_loop3A_264 = vector.shape_cast %and3A_26 : vector<16xi32> to vector<16x1xi32>
      %parallel_loop3A_265 = vector.shape_cast %parallel_loop3A_264 : vector<16x1xi32> to vector<16xi32>
      %parallel_loop3A_266 = tpu.dynamic_gather %parallel_loop3A_259[%parallel_loop3A_265] in [0] : vector<16xf32>, vector<16xi32> -> vector<16xf32>
      %parallel_loop3A_267 = arith.addf %parallel_loop3A_259, %parallel_loop3A_266 : vector<16xf32>
      %parallel_loop3A_268 = vector.shape_cast %and3A_32 : vector<16xi32> to vector<16x1xi32>
      %parallel_loop3A_269 = vector.shape_cast %parallel_loop3A_268 : vector<16x1xi32> to vector<16xi32>
      %parallel_loop3A_270 = tpu.dynamic_gather %parallel_loop3A_267[%parallel_loop3A_269] in [0] : vector<16xf32>, vector<16xi32> -> vector<16xf32>
      %parallel_loop3A_271 = arith.addf %parallel_loop3A_263, %parallel_loop3A_270 : vector<16xf32>
      %parallel_loop3A_272 = arith.addf %parallel_loop3A_271, %mul3A_151 : vector<16xf32>
      %parallel_loop3A_273 = vector.shape_cast %and3A_26 : vector<16xi32> to vector<16x1xi32>
      %parallel_loop3A_274 = vector.shape_cast %parallel_loop3A_273 : vector<16x1xi32> to vector<16xi32>
      %parallel_loop3A_275 = tpu.dynamic_gather %parallel_loop3A_221[%parallel_loop3A_274] in [0] : vector<16xf32>, vector<16xi32> -> vector<16xf32>
      %parallel_loop3A_276 = arith.select %lt3A_49, %parallel_loop3A_275, %parallel_loop3A_272 : vector<16xi1>, vector<16xf32>
      %parallel_loop3A_277 = arith.constant 3.000000e+01 : f32
      %parallel_loop3A_278 = vector.broadcast %parallel_loop3A_277 : f32 to vector<16xf32>
      %parallel_loop3A_279 = arith.minimumf %parallel_loop3A_276, %parallel_loop3A_278 : vector<16xf32>
      %parallel_loop3A_280 = math.exp %parallel_loop3A_279 : vector<16xf32>
      %parallel_loop3A_281 = arith.constant 1.000000e+00 : f32
      %parallel_loop3A_282 = vector.broadcast %parallel_loop3A_281 : f32 to vector<16xf32>
      %parallel_loop3A_283 = arith.subf %parallel_loop3A_280, %parallel_loop3A_282 : vector<16xf32>
      %parallel_loop3A_284 = arith.constant 1.000000e+00 : f32
      %parallel_loop3A_285 = vector.broadcast %parallel_loop3A_284 : f32 to vector<16xf32>
      %parallel_loop3A_286 = arith.addf %parallel_loop3A_280, %parallel_loop3A_285 : vector<16xf32>
      %parallel_loop3A_287 = arith.divf %parallel_loop3A_283, %parallel_loop3A_286 : vector<16xf32>
      %parallel_loop3A_288 = arith.constant 16 : i32
      %parallel_loop3A_289 = arith.muli %parallel_loop3A_156, %parallel_loop3A_288 : i32
      %parallel_loop3A_290 = arith.index_cast %parallel_loop3A_289 : i32 to index
      %parallel_loop3A_291 = tpu.vector_load %arg13[%parallel_loop3A_290] {strides = array<i32>} : memref<4096xf32, #tpu.memory_space<vmem>>, vector<16xf32>,
      %parallel_loop3A_292 = vector.shape_cast %parallel_loop3A_291 : vector<16xf32> to vector<16xf32>
      %parallel_loop3A_293 = vector.shape_cast %parallel_loop3A_287 : vector<16xf32> to vector<16xf32>
      tpu.vector_store %arg13[%parallel_loop3A_290], %parallel_loop3A_293 {strides = array<i32>} : memref<4096xf32, #tpu.memory_space<vmem>>, vector<16xf32>,
    } {sc.loop_unroll_factor = 4 : i64, sc.parallel_access}
    %mul3A_154 = arith.constant 8 : i32
    %mul3A_155 = arith.muli %mul3A_2, %mul3A_154 : i32
    "tpu.region"() ({
      %run_scoped3A = tpu.sem_alloc : memref<!tpu.dma_semaphore, #tpu.memory_space<semaphore_mem>>
      %dma_start3A_156 = tpu.memref_slice %arg7[%mul3A_155] : memref<131072xf32, #tpu.memory_space<hbm>> -> memref<4096xf32, #tpu.memory_space<hbm>>
      %dma_start3A_157 = tpu.memref_slice %arg7[%mul3A_155] : memref<131072xf32, #tpu.memory_space<hbm>> -> memref<4096xf32, #tpu.memory_space<hbm>>
      tpu.enqueue_dma source(%arg13 : memref<4096xf32, #tpu.memory_space<vmem>>) target(%dma_start3A_157 : memref<4096xf32, #tpu.memory_space<hbm>>) target_semaphore(%run_scoped3A : memref<!tpu.dma_semaphore, #tpu.memory_space<semaphore_mem>>)
      %dma_wait3A_158 = tpu.memref_slice %arg7[%mul3A_155] : memref<131072xf32, #tpu.memory_space<hbm>> -> memref<4096xf32, #tpu.memory_space<hbm>>
      %dma_wait3A_159 = tpu.memref_slice %arg7[%mul3A_155] : memref<131072xf32, #tpu.memory_space<hbm>> -> memref<4096xf32, #tpu.memory_space<hbm>>
      tpu.wait_dma2 semaphore(%run_scoped3A : memref<!tpu.dma_semaphore, #tpu.memory_space<semaphore_mem>>) src(%arg13 : memref<4096xf32, #tpu.memory_space<vmem>>) dst(%dma_wait3A_159 : memref<4096xf32, #tpu.memory_space<hbm>>)
      tpu.yield
    }) : () -> ()
    return
  }
}

</mosaic_0001>

<sc_bundles>
// kernel: kernel.3.cloned.1.call-start
scs
__scs_entry_jumppad:
0x0: {  	(pc) =	sbr.rel $0x88, $3  }
0x1: {  	(tag) =	ssettag $0x0;
	lr =	simm.s32 $0x1  }
0x2: {  	[smem:$0x3F9C] =	sst lr;
	_ =	strace $0xD0000000  }
0x3: {  	_ = 	snop  }
0x4: {  	_ = 	snop  }
0x5: {  	_ = 	snop  }
0x6: {  	_ = 	snop  }
0x7: {  	_ = 	snop  }
__scs_overlays_trampoline_lowered:
0x8: {  	[smem:$0x3FAB] =	sst s0  }
0x9: {  	[smem:$0x3FAC] =	sst s1  }
0xa: {  	[smem:$0x3FAD] =	sst s2  }
0xb: {  	[smem:$0x3FAE] =	sst s3  }
0xc: {  	[smem:$0x3FAF] =	sst s4  }
0xd: {  	[smem:$0x3FB0] =	sst s5  }
0xe: {  	[smem:$0x3FB1] =	sst s6  }
0xf: {  	[smem:$0x3FB2] =	sst s7  }
0x10: {  	[smem:$0x3FB3] =	sst s8  }
0x11: {  	[smem:$0x3FB4] =	sst s9;
	s0 =	simm.s32 @!p0 $0x0  }
0x12: {  	s1 =	sld [smem:$0x3F9A];
	s0 =	simm.s32 @p0 $0x1  }
0x13: {  	[smem:$0x3FB5] =	sst s0;
	s0 =	simm.s32 @!p1 $0x0  }
0x14: {  	s2 =	sld [smem:$0x3F99];
	s0 =	simm.s32 @p1 $0x1  }
0x15: {  	[smem:$0x3FB6] =	sst s0;
	s0 =	simm.s32 @!p2 $0x0  }
0x16: {  	s3 =	sld [smem:$0x3FDB];
	s0 =	simm.s32 @p2 $0x1  }
0x17: {  	s4 =	simm.s32 $0x1BF5;
	[smem:$0x3FB8] =	sst s0  }
0x18: {  	s0 =	sld [smem:$0x3F9B];
	_ =	swait.ge [sflag:s4], $0x0  }
0x19: {  	s7 =	sld [smem:$0x3F9C]  }
0x1a: {  	s8 =	sadd.s32 $0xFFFFE003, lr  }
0x1b: {  	s9 =	sadd.s32 $0xFFFFFEF7, lr;
	s5 =	simm.s32 $0xFFFFFFFF;
	p2 =	slt.u32 s8, $0xFFFFF086  }
0x1c: {  	p1 =	slt.u32 s9, $0xF7A;
	s5 =	simm.s32 @!p2 $0x0  }
0x1d: {  	s5 =	simm.s32 @p1 $0x1;
	p0 =	seq.s32 s7, s2  }
0x1e: {  	s7 =	smul.u32 @!p0 $0xF7A, s2;
	p2 =	seq.s32 @!p0 s5, $0x0  }
0x1f: {  	s9 =	smul.u32 $0xF7A, s1;
	s8 =	simm.s32 @!p0 $0x1BF5;
	p2 =	por !p2, p0  }
0x20: {  	[sflag:s8] =	ssyncset.s32 @!p0 $0xFFFFF086;
	s6 =	sadd.s32 @!p0 s3, s7;
	s7 =	simm.s32 @!p0 $0x108  }
0x21: {  	s3 =	sadd.s32 s3, s9;
	s6 =	sadd.s32 @!p0 $0x88, s6;
	s7 =	simm.s32 @p2 $0x1082  }
0x22: {  	[simem:s7], [sflag:s8] =	dma.local @!p0 [hbm:s6], $0xF7A  }
0x23: {  	s9 =	sor.u32 $0xD0000000, s2;
	s6 =	simm.s32 $0x108;
	_ =	swait.ge @!p0 [sflag:s8], $0x0  }
0x24: {  	s3 =	sadd.s32 $0x88, s3;
	s6 =	simm.s32 @!p1 $0x1082;
	[sflag:s4] =	ssyncset.s32 $0xFFFFF086  }
0x25: {  	[simem:s6], [sflag:s4] =	dma.local [hbm:s3], $0xF7A  }
0x26: {  	[smem:$0x3F9C] =	sst s1;
	(tag) =	ssettag s2;
	_ =	strace s9  }
0x27: {  	s1 =	sld [smem:$0x3FAC]  }
0x28: {  	s2 =	sld [smem:$0x3FAD]  }
0x29: {  	s4 =	sld [smem:$0x3FAF]  }
0x2a: {  	p0 =	seq.s32 s5, $0x0;
	s5 =	sld [smem:$0x3FB0]  }
0x2b: {  	s6 =	sld [smem:$0x3FB1]  }
0x2c: {  	s7 =	sld [smem:$0x3FB2]  }
0x2d: {  	s3 =	simm.s32 $0x108;
	s8 =	sld [smem:$0x3FB3]  }
0x2e: {  	s3 =	simm.s32 @!p0 $0x1082;
	s9 =	sld [smem:$0x3FB4]  }
0x2f: {  	lr =	sadd.s32 s0, s3;
	s0 =	sld [smem:$0x3FAB]  }
0x30: {  	s3 =	sld [smem:$0x3FAE]  }
0x31: {  	[smem:$0x3FB7] =	sst s10  }
0x32: {  	s10 =	sld [smem:$0x3FB5];
	_ =	sdelay $0x3  }
0x33: {  	p0 =	seq.s32 s10, $0x1;
	s10 =	sld [smem:$0x3FB7];
	_ =	sdelay $0x3  }
0x34: {  	[smem:$0x3FB7] =	sst s10  }
0x35: {  	s10 =	sld [smem:$0x3FB6];
	_ =	sdelay $0x3  }
0x36: {  	p1 =	seq.s32 s10, $0x1;
	s10 =	sld [smem:$0x3FB7];
	_ =	sdelay $0x3  }
0x37: {  	[smem:$0x3FB7] =	sst s10  }
0x38: {  	s10 =	sld [smem:$0x3FB8]  }
0x39: {  	_ = 	snop;
	(pc) =	sbr.ind lr, $3  }
0x3a: {  	_ = 	snop  }
0x3b: {  	_ = 	snop  }
0x3c: {  	p2 =	seq.s32 s10, $0x1;
	s10 =	sld [smem:$0x3FB7]  }
0x3d: {  	_ =	shalt  }
0x3e: {  	_ =	shalt  }
0x3f: {  	_ =	shalt  }
0x40: {  	_ =	shalt  }
0x41: {  	_ =	shalt  }
0x42: {  	_ =	shalt  }
0x43: {  	_ =	shalt  }
0x44: {  	_ =	shalt  }
0x45: {  	_ =	shalt  }
0x46: {  	_ =	shalt  }
0x47: {  	_ =	shalt  }
0x48: {  	_ =	shalt  }
0x49: {  	_ =	shalt  }
0x4a: {  	_ =	shalt  }
0x4b: {  	_ =	shalt  }
0x4c: {  	_ =	shalt  }
0x4d: {  	_ =	shalt  }
0x4e: {  	_ =	shalt  }
0x4f: {  	_ =	shalt  }
0x50: {  	_ =	shalt  }
0x51: {  	_ =	shalt  }
0x52: {  	_ =	shalt  }
0x53: {  	_ =	shalt  }
0x54: {  	_ =	shalt  }
0x55: {  	_ =	shalt  }
0x56: {  	_ =	shalt  }
0x57: {  	_ =	shalt  }
0x58: {  	_ =	shalt  }
0x59: {  	_ =	shalt  }
0x5a: {  	_ =	shalt  }
0x5b: {  	_ =	shalt  }
0x5c: {  	_ =	shalt  }
0x5d: {  	_ =	shalt  }
0x5e: {  	_ =	shalt  }
0x5f: {  	_ =	shalt  }
0x60: {  	_ =	shalt  }
0x61: {  	_ =	shalt  }
0x62: {  	_ =	shalt  }
0x63: {  	_ =	shalt  }
0x64: {  	_ =	shalt  }
0x65: {  	_ =	shalt  }
0x66: {  	_ =	shalt  }
0x67: {  	_ =	shalt  }
0x68: {  	_ =	shalt  }
0x69: {  	_ =	shalt  }
0x6a: {  	_ =	shalt  }
0x6b: {  	_ =	shalt  }
0x6c: {  	_ =	shalt  }
0x6d: {  	_ =	shalt  }
0x6e: {  	_ =	shalt  }
0x6f: {  	_ =	shalt  }
0x70: {  	_ =	shalt  }
0x71: {  	_ =	shalt  }
0x72: {  	_ =	shalt  }
0x73: {  	_ =	shalt  }
0x74: {  	_ =	shalt  }
0x75: {  	_ =	shalt  }
0x76: {  	_ =	shalt  }
0x77: {  	_ =	shalt  }
0x78: {  	_ =	shalt  }
0x79: {  	_ =	shalt  }
0x7a: {  	_ =	shalt  }
0x7b: {  	_ =	shalt  }
0x7c: {  	_ =	shalt  }
0x7d: {  	_ =	shalt  }
0x7e: {  	_ =	shalt  }
0x7f: {  	_ =	shalt  }
0x80: {  	_ =	shalt  }
0x81: {  	_ =	shalt  }
0x82: {  	_ =	shalt  }
0x83: {  	_ =	shalt  }
0x84: {  	_ =	shalt  }
0x85: {  	_ =	shalt  }
0x86: {  	_ =	shalt  }
0x87: {  	_ =	shalt  }
.Lfunc_end0:
.L_simem_size_0:
called_computation_lowered:
.L_overlay_start_0:
0x88: {  	s2 =	sld [smem:$0x3FD9]  }
0x89: {  	s3 =	sld [smem:$0x3FFE];
	_ =	sdelay $0x1  }
0x8a: {  	s1 =	srdreg.scid  }
0x8b: {  	s0 =	sand.u32 $0x1, s1  }
0x8c: {  	s17 =	sshll.u32 s0, $0xA;
	s2 =	sadd.s32 s3, s2  }
0x8d: {  	s2 =	sadd.s32 s2, s17  }
0x8e: {  	[smem:$0x3FC3] =	sst s2  }
0x8f: {  	_ = 	snop  }
0x90: {  	s2 =	sld [smem:$0x3FC8]  }
0x91: {  	s18 =	sld [smem:$0x3FC7]  }
0x92: {  	s4 =	sld [smem:$0x3FC6]  }
0x93: {  	s5 =	sld [smem:$0x3FC5]  }
0x94: {  	s6 =	sld [smem:$0x3FD0];
	(tm) =	ssettm $0x1  }
0x95: {  	s7 =	sld [smem:$0x3FFB];
	_ =	sdelay $0x3  }
0x96: {  	_ =	strace s7  }
0x97: {  	s7 =	sld [smem:$0x3FFC];
	_ =	sdelay $0x3  }
0x98: {  	_ =	strace s7  }
0x99: {  	s7 =	sld [smem:$0x3FFD];
	_ =	sdelay $0x3  }
0x9a: {  	_ =	strace s7  }
0x9b: {  	_ =	strace $0x8FFFFFFF  }
0x9c: {  	s19 =	sld [smem:$0x3FDB];
	_ =	sdelay $0x1  }
0x9d: {  	s8 =	simm.s32 $_scs_section_size  }
0x9e: {  	s9 =	simm.s32 $_size__tile_overlayer_lowered;
	s10 =	simm.s32 $_tile_overlayer_lowered  }
0x9f: {  	s22 =	simm.s32 $0x1BFF;
	s21 =	sshll.u32 s10, $0x1;
	s7 =	sadd.s32 s8, s19  }
0xa0: {  	s11 =	simm.s32 $0x0;
	s20 =	sshll.u32 s9, $0x1;
	s9 =	sadd.s32 s21, s7  }
0xa1: {  	[timem:s11], [sflag:s22] =	dma.local [hbm:s9], s20  }
0xa2: {  	_ =	swait.ge [sflag:s22], s20  }
0xa3: {  	s8 =	ssub.s32 $0x0, s20;
	[sflag:s22] =	ssyncset.done $0x0  }
0xa4: {  	[sflag:s22] =	ssyncadd.s32 s8;
	_ =	sdelay $0x1  }
0xa5: {  	s23 =	simm.s32 $0x1B8B  }
0xa6: {  	_ =	swait.ge [sflag:s23], $0x1  }
0xa7: {  	[sflag:s23] =	ssyncset.done $0x0  }
0xa8: {  	s25 =	simm.s32 $0x1B8E;
	s24 =	sld [smem:$0x3FFE];
	[sflag:s23] =	ssyncadd.s32 $0xFFFFFFFF  }
0xa9: {  	s26 =	simm.s32 $execute0_lowered;
	[smem:$0x3FD2] =	sst s25  }
0xaa: {  	s9 =	sshll.u32 s26, $0x1;
	_ =	strace $0x80000046;
	[dreg:$0x1] =	wrdreg $0xFFFFFFFF  }
0xab: {  	s28 =	simm.s32 $_size_execute0_lowered;
	s7 =	sadd.s32 s7, s9;
	[dreg:$0x0] =	wrdreg $0x0  }
0xac: {  	s9 =	sshll.u32 s28, $0x1;
	[dreg:$0x2] =	wrdreg s7  }
0xad: {  	[dreg:$0x3] =	wrdreg s9  }
0xae: {  	[dreg:$0x4] =	wrdreg $0xC0  }
0xaf: {  	_ =	task [dreg:s11], $0x5FFFF  }
0xb0: {  	[dreg:$0x1] =	wrdreg $0xFFFFFFFF  }
0xb1: {  	[dreg:$0x0] =	wrdreg $0x60  }
0xb2: {  	[dreg:$0x2] =	wrdreg s24  }
0xb3: {  	[dreg:$0x3] =	wrdreg s2  }
0xb4: {  	[dreg:$0x4] =	wrdreg s18  }
0xb5: {  	[dreg:$0x5] =	wrdreg s4  }
0xb6: {  	[dreg:$0x6] =	wrdreg s5  }
0xb7: {  	[dreg:$0x7] =	wrdreg s6  }
0xb8: {  	[dreg:$0x8] =	wrdreg $0x9  }
0xb9: {  	_ =	task.clear_ibuf [dreg:s11], $0x9FFFF;
	_ =	strace $0x90000046  }
0xba: {  	s29 =	simm.s32 $0x9;
	_ =	strace $0x80000048  }
0xbb: {  	_ =	swait.ge [sflag:s29], $0x1  }
0xbc: {  	[sflag:s29] =	ssyncadd.s32 $0xFFFFFFFF  }
0xbd: {  	_ =	strace $0x90000048  }
0xbe: {  	_ =	sfence  }
0xbf: {  	s30 =	sld [smem:$0x0];
	_ =	sdelay $0x2  }
0xc0: {  	s31 =	sshll.u32 s1, $0xD;
	s1 =	sshrl.u32 s1, $0x2  }
0xc1: {  	s3 =	sand.u32 $0x4000, s31;
	s1 =	sadd.s32 s1, s30  }
0xc2: {  	s0 =	sor.u32 s3, s0;
	s1 =	sshll.u32 s1, $0x11  }
0xc3: {  	s0 =	sor.u32 s1, s0  }
0xc4: {  	s0 =	sadd.s32 $0x8F2B, s0  }
0xc5: {  	[sflag:s0] =	ssyncadd.remote.s32 $0x1  }
0xc6: {  	_ =	sfence.sel $0xFFFF  }
0xc7: {  	[dreg:$0x0] =	wrdreg $0xFFFFFFFF;
	(pc) =	sbr.abs _section_cstart, $3  }
0xc8: {  	[dreg:$0x1] =	wrdreg $0xFFFFFFFF  }
0xc9: {  	_ =	task.clear_ibuf [dreg:s11], $0x2FFFF;
	_ =	strace $0x9FFFFFFF  }
0xca: {  	(tm) =	ssettm $0x7FFFFFFF  }
0xcb: {  	_ =	shalt  }
tec
execute0_lowered:
.L_overlay_start_1:
0x0: {  	(tag) =	ssettag $0x1  }
0x1: {  	s7 =	rddreg [dreg:$0x0]  }
0x2: {  	s1 =	rddreg [dreg:$0x1]  }
0x3: {  	s2 =	rddreg [dreg:$0x2]  }
0x4: {  	s3 =	rddreg [dreg:$0x3]  }
0x5: {  	s5 =	rddreg [dreg:$0x4]  }
0x6: {  	s8 =	rddreg [dreg:$0x5]  }
0x7: {  	s0 =	rddreg [dreg:$0x6];
	s9 =	srdreg.scid  }
0x8: {  	s4 =	stileid.u32;
	s6 =	simm.s32 $0x0;
	s12 =	simm.s32 $0x10100  }
0x9: {  	v0 =	vimm.s32 $0xFEDCBA98;
	s13 =	simm.s32 $0x10180;
	s14 =	simm.s32 $0x1;
	s15 =	simm.s32 $0x10200  }
0xa: {  	v2 =	vimm.s32 $0x76543210;
	s16 =	simm.s32 $0x2;
	s9 =	sand.u32 $0x1, s9;
	s10 =	sshll.u32 s4, $0x1;
	v3 =	vunpack.c.l.s4.s8 v0  }
0xb: {  	v1 =	vlaneseq.u32;
	v4 =	vimm.s32 $0x43210765;
	s17 =	simm.s32 $0x0;
	[smem:$0x7FF] =	sst s6;
	v2 =	vunpack.c.l.s4.s8 v2;
	s10 =	sor.u32 s9, s10  }
0xc: {  	v0 =	vshrl.u32 v1, $0x1;
	v1 =	vand.u32 $0x7, v1;
	_ =	strace $0x80000047;
	s9 =	ssub.s32 $0x2, s9;
	s11 =	sshll.u32 s10, $0xD;
	v3 =	vunpack.c.0.s8.s32 v3  }
0xd: {  	v6 =	vunpack.c.l.s4.s8 v4;
	v1 =	vmul.u32 $0x2, v1;
	s31 =	sshrl.u32 s9, $0x1;
	s10 =	sshll.u32 s10, $0x9;
	v5 =	vunpack.c.0.s8.s32 v2;
	s7 =	sadd.s32 s11, s7  }
0xe: {  	vm0 =	vmmov $0xff;
	v2 =	vor.u32 $0x8, v0;
	s9 =	ssub.s32 s9, s31;
	s8 =	sadd.s32 s8, s10;
	s10 =	simm.s32 $0x10000;
	v3 =	vand.u32 $0xF, v3  }
0xf: {  	s11 =	simm.s32 $0x10080;
	v4 =	vor.u32 $0x1, v1;
	s7 =	sadd.s32 $0x400, s7;
	s9 =	smax.u32 s9, $0x1;
	v3 =	vcombine.low v3, v5;
	v5 =	vunpack.c.0.s8.s32 v6  }
.LBB2_1:
0x10: {  	[tilespmem:s6], [sflag:$0x1] =	stream.linear.gather [hbm4b:s7+s6], $0x10000, $0x38;
	[tilespmem:$0x11200] =	vst v63  }
0x11: {  	_ = 	snop  }
0x12: {  	[tilespmem:s10], [sflag:$0x1] =	stream.linear.gather [hbm4b:s1+s6], $0x80, $0x38;
	[tilespmem:$0x11200] =	vst v63  }
0x13: {  	_ = 	snop  }
0x14: {  	[tilespmem:s11], [sflag:$0x1] =	stream.linear.gather [hbm4b:s2+s6], $0x80, $0x38;
	[tilespmem:$0x11200] =	vst v63  }
0x15: {  	_ = 	snop  }
0x16: {  	[tilespmem:s12], [sflag:$0x1] =	stream.linear.gather [hbm4b:s3+s6], $0x80, $0x38;
	[tilespmem:$0x11200] =	vst v63  }
0x17: {  	_ = 	snop  }
0x18: {  	[tilespmem:s13], [sflag:$0x1] =	stream.linear.gather [hbm4b:s5+s6], $0x38, $0x38;
	[tilespmem:$0x11200] =	vst v63  }
0x19: {  	_ =	swait.ge [sflag:s14], $0x10000  }
0x1a: {  	[sflag:s14] =	ssyncset.done $0x0  }
0x1b: {  	[sflag:s14] =	ssyncadd.s32 $0xFFFF0000  }
0x1c: {  	_ =	swait.ge [sflag:s14], $0x80  }
0x1d: {  	[sflag:s14] =	ssyncset.done $0x0  }
0x1e: {  	[sflag:s14] =	ssyncadd.s32 $0xFFFFFF80  }
0x1f: {  	_ =	swait.ge [sflag:s14], $0x80  }
0x20: {  	[sflag:s14] =	ssyncset.done $0x0  }
0x21: {  	[sflag:s14] =	ssyncadd.s32 $0xFFFFFF80  }
0x22: {  	_ =	swait.ge [sflag:s14], $0x80  }
0x23: {  	[sflag:s14] =	ssyncset.done $0x0  }
0x24: {  	[sflag:s14] =	ssyncadd.s32 $0xFFFFFF80  }
0x25: {  	_ =	swait.ge [sflag:s14], $0x38  }
0x26: {  	[sflag:s14] =	ssyncset.done $0x0  }
0x27: {  	[sflag:s14] =	ssyncadd.s32 $0xFFFFFFC8  }
0x28: {  	v6 =	vld [tilespmem:$0x10000]  }
0x29: {  	v7 =	vld [tilespmem:$0x10080]  }
0x2a: {  	v8 =	vld [tilespmem:$0x10180]  }
0x2b: {  	v9 =	vld [tilespmem:$0x10090]  }
0x2c: {  	s18 =	simm.s32 $0x200;
	v10 =	vld [tilespmem:$0x10190]  }
0x2d: {  	v21 =	vld [tilespmem:s18+$0xFFFFFE80]  }
0x2e: {  	v11 =	vld [tilespmem:$0x101A0]  }
0x2f: {  	v12 =	vld [tilespmem:s18+$0x180]  }
0x30: {  	v24 =	vld [tilespmem:s18+$0x80];
	v13 =	vperm.xlane v8, v0;
	v8 =	vperm.xlane v8, v2  }
0x31: {  	v14 =	vld [tilespmem:s18+$0x100];
	v16 =	vperm.xlane v6, v0;
	v17 =	vperm.xlane v6, v2  }
0x32: {  	v15 =	vadd.f32 v7, v7;
	v27 =	vperm.xlane v21, v0;
	v7 =	vmul.f32 v13, v7  }
0x33: {  	v21 =	vperm.xlane v21, v2;
	v13 =	vadd.f32 v9, v9;
	v8 =	vmul.f32 v8, v9  }
0x34: {  	v6 =	vmul.f32 v16, v15;
	v15 =	vperm.xlane v12, v0;
	v9 =	vadd.f32 v10, v7  }
0x35: {  	v18 =	vld [tilespmem:$0x10100];
	v60 =	vperm.xlane v24, v0;
	v7 =	vmul.f32 v17, v13;
	v11 =	vadd.f32 v11, v8  }
0x36: {  	v13 =	vperm.xlane v14, v0;
	v15 =	vmul.f32 v15, v6;
	v8 =	vadd.f32 v9, v9  }
0x37: {  	v12 =	vperm.xlane v12, v2;
	v10 =	vld [tilespmem:$0x10110];
	v14 =	vperm.xlane v14, v2  }
0x38: {  	v9 =	vadd.f32 v11, v11;
	v11 =	vmul.f32 v13, v6;
	v15 =	vadd.f32 v15, v8  }
0x39: {  	v14 =	vmul.f32 v14, v7;
	v12 =	vmul.f32 v12, v7  }
0x3a: {  	v13 =	vperm.xlane v18, v1;
	v11 =	vadd.f32 v11, v8;
	v15 =	vmin.f32 v15, $3.000000000e+01  }
0x3b: {  	v19 =	vld [tilespmem:$0x10130];
	v14 =	vadd.f32 v14, v9;
	v12 =	vadd.f32 v12, v9;
	v15 =	vmul.f32 $1.442695020e+00, v15  }
0x3c: {  	v17 =	vld [tilespmem:$0x10120];
	v16 =	vperm.xlane v10, v1;
	v20 =	vperm.xlane v10, v4;
	v11 =	vmin.f32 v11, $3.000000000e+01  }
0x3d: {  	v10 =	vmul.f32 $1.442695020e+00, v11;
	v11 =	vmin.f32 v14, $3.000000000e+01;
	(erf) = vpow2.f32 v15;
	v15 =	vld [tilespmem:s18+$0xFFFFFF00]  }
0x3e: {  	v18 =	vperm.xlane v18, v4;
	v11 =	vmul.f32 $1.442695020e+00, v11  }
0x3f: {  	v12 =	vmin.f32 v12, $3.000000000e+01;
	v14 =	vld [tilespmem:s18+$0xFFFFFE00];
	v13 =	vsel vm0, v13, v16;
	(erf) = vpow2.f32 v10  }
0x40: {  	v12 =	vmul.f32 $1.442695020e+00, v12;
	v10 =	vadd.f32 v13, v13;
	(erf) = vpow2.f32 v11  }
0x41: {  	v13 =	vperm.xlane v17, v1;
	v11 =	vsel vm0, v18, v20;
	v18 =	vperm.xlane v19, v1;
	v20 =	vld [tilespmem:$0x101A8]  }
0x42: {  	(erf) = vpow2.f32 v12;
	v22 =	vperm.xlane v15, v0  }
0x43: {  	v24 =	vperm.xlane v24, v2;
	v27 =	vmul.f32 v27, v6;
	v16 =	vld [tilespmem:s18+$0x0]  }
0x44: {  	v21 =	vmul.f32 v21, v7;
	v12 =	vsel vm0, v13, v18;
	v13 =	vperm.xlane v14, v0  }
0x45: {  	v27 =	vadd.f32 v27, v8;
	v17 =	vperm.xlane v17, v4;
	v19 =	vperm.xlane v19, v4  }
0x46: {  	v23 =	vmul.f32 v13, v6;
	v13 =	vadd.f32 v20, v20;
	v20 =	vmul.f32 v22, v6;
	v22 =	vpop (erf)  }
0x47: {  	v24 =	vmul.f32 v24, v7;
	v11 =	vadd.f32 v11, v11;
	v25 =	vadd.f32 $1.000000000e+00, v22  }
0x48: {  	v18 =	vperm.xlane v14, v2;
	v14 =	vsel vm0, v17, v19;
	v17 =	vperm.xlane v16, v0;
	v26 =	vpop (erf)  }
0x49: {  	v16 =	vperm.xlane v16, v2;
	v15 =	vperm.xlane v15, v2;
	v28 =	vadd.f32 $1.000000000e+00, v26;
	v29 =	vpop (erf)  }
0x4a: {  	v19 =	vld [tilespmem:s18+$0xFFFFFF80];
	v18 =	vmul.f32 v18, v7;
	v30 =	vadd.f32 $1.000000000e+00, v29;
	(erf) = vrcp.f32 v25  }
0x4b: {  	v14 =	vadd.f32 v14, v14;
	v17 =	vmul.f32 v17, v6;
	(erf) = vrcp.f32 v28;
	v25 =	vpop (erf)  }
0x4c: {  	v16 =	vmul.f32 v16, v7;
	(erf) = vrcp.f32 v30;
	v32 =	vadd.f32 $1.000000000e+00, v25  }
0x4d: {  	v15 =	vmul.f32 v15, v7;
	v23 =	vadd.f32 v23, v8;
	v18 =	vadd.f32 v18, v9  }
0x4e: {  	v17 =	vadd.f32 v17, v8;
	v16 =	vadd.f32 v16, v9;
	(erf) = vrcp.f32 v32  }
0x4f: {  	v31 =	vperm.xlane v19, v0;
	v19 =	vperm.xlane v19, v2;
	v20 =	vadd.f32 v20, v8  }
0x50: {  	v15 =	vadd.f32 v15, v9;
	v23 =	vmin.f32 v23, $3.000000000e+01;
	v18 =	vmin.f32 v18, $3.000000000e+01  }
0x51: {  	v17 =	vmin.f32 v17, $3.000000000e+01;
	v22 =	vadd.f32 $-1.000000000e+00, v22;
	v16 =	vmin.f32 v16, $3.000000000e+01  }
0x52: {  	v61 =	vmul.f32 v31, v6;
	v19 =	vmul.f32 v19, v7;
	v20 =	vmin.f32 v20, $3.000000000e+01  }
0x53: {  	v23 =	vmul.f32 $1.442695020e+00, v23;
	v18 =	vmul.f32 $1.442695020e+00, v18;
	v26 =	vadd.f32 $-1.000000000e+00, v26;
	v62 =	vpop (erf)  }
0x54: {  	v17 =	vmul.f32 $1.442695020e+00, v17;
	v16 =	vmul.f32 $1.442695020e+00, v16;
	v29 =	vadd.f32 $-1.000000000e+00, v29;
	v63 =	vpop (erf)  }
0x55: {  	v15 =	vmin.f32 v15, $3.000000000e+01;
	v20 =	vmul.f32 $1.442695020e+00, v20;
	v33 =	vpop (erf);
	v26 =	vmul.f32 v63, v26  }
0x56: {  	v15 =	vmul.f32 $1.442695020e+00, v15;
	v25 =	vadd.f32 $-1.000000000e+00, v25;
	v29 =	vmul.f32 v33, v29  }
0x57: {  	v21 =	vadd.f32 v21, v9;
	v22 =	vmul.f32 v62, v22;
	v37 =	vmul.f32 v26, v11;
	v36 =	vpop (erf)  }
0x58: {  	v12 =	vadd.f32 v12, v12;
	v38 =	vmul.f32 v29, v14;
	v25 =	vmul.f32 v36, v25  }
0x59: {  	v27 =	vmin.f32 v27, $3.000000000e+01;
	v39 =	vmul.f32 v22, v11;
	v26 =	vmul.f32 v26, v10  }
0x5a: {  	v29 =	vmul.f32 v29, v12;
	v31 =	vadd.f32 v38, v37;
	v40 =	vmul.f32 v25, v14  }
0x5b: {  	v21 =	vmin.f32 v21, $3.000000000e+01;
	v22 =	vmul.f32 v22, v10;
	v25 =	vmul.f32 v25, v12  }
0x5c: {  	v26 =	vadd.f32 v29, v26;
	v41 =	vperm.xlane v31, v3;
	v32 =	vadd.f32 v40, v39  }
0x5d: {  	v28 =	vmul.f32 v60, v6;
	(erf) = vpow2.f32 v23;
	v22 =	vadd.f32 v25, v22  }
0x5e: {  	v25 =	vperm.xlane v26, v3;
	v29 =	vadd.f32 v31, v41;
	v42 =	vperm.xlane v32, v3  }
0x5f: {  	v19 =	vadd.f32 v19, v9;
	(erf) = vpow2.f32 v18;
	v23 =	vperm.xlane v22, v3  }
0x60: {  	v25 =	vadd.f32 v26, v25;
	v26 =	vperm.xlane v29, v5;
	v43 =	vadd.f32 v32, v42  }
0x61: {  	v30 =	vadd.f32 v61, v8;
	v28 =	vadd.f32 v28, v8;
	(erf) = vpow2.f32 v20  }
0x62: {  	v22 =	vadd.f32 v22, v23;
	v18 =	vadd.f32 v25, v26;
	v23 =	vperm.xlane v43, v5  }
0x63: {  	v19 =	vmin.f32 v19, $3.000000000e+01;
	v20 =	vmul.f32 $1.442695020e+00, v21;
	(erf) = vpow2.f32 v15  }
0x64: {  	(erf) = vpow2.f32 v17;
	v15 =	vadd.f32 v18, v13;
	v18 =	vadd.f32 v22, v23  }
0x65: {  	(erf) = vpow2.f32 v16;
	v25 =	vmin.f32 v30, $3.000000000e+01;
	v26 =	vmul.f32 $1.442695020e+00, v27  }
0x66: {  	v15 =	vperm.xlane v15, v3;
	v16 =	vadd.f32 v18, v13;
	v18 =	vmul.f32 $1.442695020e+00, v25  }
0x67: {  	v24 =	vadd.f32 v24, v9;
	v19 =	vmul.f32 $1.442695020e+00, v19;
	(erf) = vpow2.f32 v26  }
0x68: {  	v17 =	vmin.f32 v28, $3.000000000e+01;
	(erf) = vpow2.f32 v20;
	v15 =	vsel vm0, v15, v16  }
0x69: {  	v16 =	vmul.f32 $1.442695020e+00, v17;
	(erf) = vpow2.f32 v18;
	v15 =	vmin.f32 v15, $3.000000000e+01  }
0x6a: {  	v17 =	vmin.f32 v24, $3.000000000e+01;
	v18 =	vpop (erf);
	v15 =	vmul.f32 $1.442695020e+00, v15;
	(erf) = vpow2.f32 v19  }
0x6b: {  	v17 =	vmul.f32 $1.442695020e+00, v17;
	v19 =	vpop (erf);
	(erf) = vpow2.f32 v16  }
0x6c: {  	v16 =	vadd.f32 $1.000000000e+00, v18;
	v20 =	vpop (erf);
	(erf) = vpow2.f32 v15  }
0x6d: {  	v15 =	vadd.f32 $1.000000000e+00, v19;
	v21 =	vpop (erf);
	(erf) = vpow2.f32 v17  }
0x6e: {  	v17 =	vadd.f32 $1.000000000e+00, v20;
	v22 =	vpop (erf);
	(erf) = vrcp.f32 v16  }
0x6f: {  	v16 =	vadd.f32 $1.000000000e+00, v21;
	v23 =	vpop (erf);
	(erf) = vrcp.f32 v15  }
0x70: {  	v15 =	vadd.f32 $1.000000000e+00, v22;
	v24 =	vpop (erf);
	(erf) = vrcp.f32 v17  }
0x71: {  	v17 =	vadd.f32 $1.000000000e+00, v23;
	v25 =	vpop (erf);
	(erf) = vrcp.f32 v16;
	v16 =	vadd.f32 $1.000000000e+00, v24  }
0x72: {  	v26 =	vpop (erf);
	(erf) = vrcp.f32 v15;
	v15 =	vadd.f32 $1.000000000e+00, v25  }
0x73: {  	(erf) = vrcp.f32 v17;
	v17 =	vadd.f32 $1.000000000e+00, v26  }
0x74: {  	v27 =	vpop (erf)  }
0x75: {  	(erf) = vrcp.f32 v16;
	v16 =	vpop (erf)  }
0x76: {  	v44 =	vadd.f32 $1.000000000e+00, v27;
	(erf) = vrcp.f32 v15;
	v15 =	vpop (erf)  }
0x77: {  	(erf) = vrcp.f32 v17;
	v45 =	vadd.f32 $1.000000000e+00, v15;
	v17 =	vpop (erf)  }
0x78: {  	v18 =	vadd.f32 $-1.000000000e+00, v18;
	v46 =	vadd.f32 $1.000000000e+00, v16;
	v47 =	vpop (erf);
	(erf) = vrcp.f32 v44  }
0x79: {  	v19 =	vadd.f32 $-1.000000000e+00, v19;
	v48 =	vadd.f32 $1.000000000e+00, v17;
	v49 =	vpop (erf);
	(erf) = vrcp.f32 v45  }
0x7a: {  	v20 =	vadd.f32 $-1.000000000e+00, v20;
	v18 =	vmul.f32 v47, v18;
	v50 =	vpop (erf);
	(erf) = vrcp.f32 v46  }
0x7b: {  	v21 =	vadd.f32 $-1.000000000e+00, v21;
	v19 =	vmul.f32 v49, v19;
	v51 =	vpop (erf);
	(erf) = vrcp.f32 v48  }
0x7c: {  	v20 =	vmul.f32 v50, v20;
	v52 =	vmul.f32 v18, v11  }
0x7d: {  	s30 =	simm.s32 $0x600;
	v22 =	vadd.f32 $-1.000000000e+00, v22;
	v18 =	vmul.f32 v18, v10;
	v21 =	vmul.f32 v51, v21  }
0x7e: {  	v23 =	vadd.f32 $-1.000000000e+00, v23;
	v49 =	vld [tilespmem:s30+$0x100];
	v53 =	vpop (erf);
	v54 =	vmul.f32 v19, v14;
	v19 =	vmul.f32 v19, v12  }
0x7f: {  	v55 =	vpop (erf);
	v22 =	vmul.f32 v53, v22;
	v56 =	vmul.f32 v20, v11  }
0x80: {  	v24 =	vadd.f32 $-1.000000000e+00, v24;
	v20 =	vmul.f32 v20, v10;
	v23 =	vmul.f32 v55, v23  }
0x81: {  	v57 =	vpop (erf);
	v58 =	vmul.f32 v21, v14;
	v18 =	vadd.f32 v19, v18;
	v19 =	vmul.f32 v21, v12  }
0x82: {  	v25 =	vadd.f32 $-1.000000000e+00, v25;
	v34 =	vmul.f32 v22, v11;
	v24 =	vmul.f32 v57, v24  }
0x83: {  	v28 =	vadd.f32 v54, v52;
	v59 =	vpop (erf);
	v22 =	vmul.f32 v22, v10;
	v51 =	vperm.xlane v49, v2  }
0x84: {  	v26 =	vadd.f32 $-1.000000000e+00, v26;
	v35 =	vmul.f32 v23, v14;
	v25 =	vmul.f32 v59, v25  }
0x85: {  	v60 =	vpop (erf);
	v19 =	vadd.f32 v19, v20;
	v20 =	vmul.f32 v23, v12;
	v40 =	vperm.xlane v28, v3  }
0x86: {  	v27 =	vadd.f32 $-1.000000000e+00, v27;
	v54 =	vld [tilespmem:s30+$0xFFFFFF80];
	v43 =	vperm.xlane v18, v3;
	v26 =	vmul.f32 v60, v26  }
0x87: {  	v55 =	vld [tilespmem:s30+$0x80];
	v29 =	vadd.f32 v58, v56;
	v61 =	vpop (erf);
	v36 =	vmul.f32 v24, v11;
	v24 =	vmul.f32 v24, v10  }
0x88: {  	v15 =	vadd.f32 $-1.000000000e+00, v15;
	v27 =	vmul.f32 v61, v27;
	v38 =	vmul.f32 v25, v14  }
0x89: {  	v16 =	vadd.f32 $-1.000000000e+00, v16;
	v62 =	vpop (erf);
	v42 =	vperm.xlane v29, v3;
	v25 =	vmul.f32 v25, v12  }
0x8a: {  	v17 =	vadd.f32 $-1.000000000e+00, v17;
	v15 =	vmul.f32 v62, v15;
	v21 =	vmul.f32 v26, v11  }
0x8b: {  	v37 =	vadd.f32 v35, v34;
	v63 =	vpop (erf);
	v26 =	vmul.f32 v26, v10;
	v30 =	vperm.xlane v54, v2  }
0x8c: {  	v20 =	vadd.f32 v20, v22;
	v61 =	vperm.xlane v55, v0;
	v16 =	vmul.f32 v63, v16  }
0x8d: {  	v28 =	vadd.f32 v28, v40;
	v39 =	vmul.f32 v27, v14;
	v22 =	vperm.xlane v37, v3  }
0x8e: {  	v27 =	vmul.f32 v27, v12;
	v24 =	vadd.f32 v25, v24;
	v25 =	vperm.xlane v19, v3  }
0x8f: {  	v33 =	vpop (erf);
	v31 =	vadd.f32 v38, v36;
	v47 =	vperm.xlane v20, v3;
	v38 =	vperm.xlane v54, v0  }
0x90: {  	v18 =	vadd.f32 v18, v43;
	v17 =	vmul.f32 v33, v17;
	v23 =	vmul.f32 v16, v11  }
0x91: {  	v46 =	vld [tilespmem:s30+$0x180];
	v29 =	vadd.f32 v29, v42;
	v16 =	vmul.f32 v16, v10;
	v44 =	vperm.xlane v31, v3  }
0x92: {  	v26 =	vadd.f32 v27, v26;
	v27 =	vperm.xlane v28, v5;
	v48 =	vperm.xlane v24, v3  }
0x93: {  	v41 =	vmul.f32 v17, v14;
	v17 =	vmul.f32 v17, v12;
	v31 =	vadd.f32 v31, v44  }
0x94: {  	v30 =	vmul.f32 v30, v7;
	v35 =	vmul.f32 v61, v6;
	v18 =	vadd.f32 v18, v27  }
0x95: {  	v24 =	vadd.f32 v24, v48;
	v16 =	vadd.f32 v17, v16;
	v17 =	vperm.xlane v31, v5  }
0x96: {  	v21 =	vadd.f32 v39, v21;
	v22 =	vadd.f32 v37, v22;
	v28 =	vperm.xlane v46, v2  }
0x97: {  	v18 =	vadd.f32 v18, v13;
	v17 =	vadd.f32 v24, v17;
	v24 =	vperm.xlane v46, v0  }
0x98: {  	v19 =	vadd.f32 v19, v25;
	v22 =	vperm.xlane v22, v5;
	v27 =	vperm.xlane v49, v0  }
0x99: {  	v18 =	vperm.xlane v18, v3;
	v17 =	vadd.f32 v17, v13;
	v24 =	vmul.f32 v24, v6  }
0x9a: {  	v28 =	vmul.f32 v28, v7;
	v23 =	vadd.f32 v41, v23;
	v27 =	vmul.f32 v27, v6  }
0x9b: {  	v17 =	vsel vm0, v18, v17;
	v18 =	vmul.f32 v51, v7;
	v24 =	vadd.f32 v24, v8  }
0x9c: {  	v28 =	vadd.f32 v28, v9;
	v27 =	vadd.f32 v27, v8;
	v17 =	vmin.f32 v17, $3.000000000e+01  }
0x9d: {  	v17 =	vmul.f32 $1.442695020e+00, v17;
	v18 =	vadd.f32 v18, v9;
	v24 =	vmin.f32 v24, $3.000000000e+01  }
0x9e: {  	v50 =	vperm.xlane v23, v3;
	v27 =	vmin.f32 v27, $3.000000000e+01;
	v24 =	vmul.f32 $1.442695020e+00, v24  }
0x9f: {  	(erf) = vpow2.f32 v17;
	v17 =	vmul.f32 $1.442695020e+00, v27;
	v18 =	vmin.f32 v18, $3.000000000e+01;
	v27 =	vld [tilespmem:s30+$0xFFFFFE00]  }
0xa0: {  	v28 =	vmin.f32 v28, $3.000000000e+01;
	v18 =	vmul.f32 $1.442695020e+00, v18;
	(erf) = vpow2.f32 v24;
	v24 =	vld [tilespmem:s30+$0xFFFFFF00]  }
0xa1: {  	v20 =	vadd.f32 v20, v47;
	v28 =	vmul.f32 $1.442695020e+00, v28;
	(erf) = vpow2.f32 v17  }
0xa2: {  	v25 =	vperm.xlane v26, v3;
	v23 =	vadd.f32 v23, v50;
	(erf) = vpow2.f32 v18  }
0xa3: {  	v45 =	vperm.xlane v21, v3;
	v20 =	vadd.f32 v20, v22;
	(erf) = vpow2.f32 v28  }
0xa4: {  	v25 =	vadd.f32 v26, v25;
	v26 =	vld [tilespmem:s30+$0xFFFFFE80];
	v18 =	vperm.xlane v23, v5;
	v22 =	vperm.xlane v27, v0  }
0xa5: {  	v21 =	vadd.f32 v21, v45;
	v23 =	vperm.xlane v27, v2;
	v27 =	vperm.xlane v24, v0  }
0xa6: {  	v29 =	vperm.xlane v29, v5;
	v52 =	vperm.xlane v16, v3  }
0xa7: {  	v62 =	vmul.f32 v38, v6;
	v30 =	vadd.f32 v30, v9;
	v21 =	vperm.xlane v21, v5  }
0xa8: {  	v19 =	vadd.f32 v19, v29;
	v31 =	vperm.xlane v55, v2;
	v28 =	vadd.f32 v16, v52;
	v16 =	vpop (erf)  }
0xa9: {  	v21 =	vadd.f32 v25, v21;
	v58 =	vperm.xlane v26, v0;
	v25 =	vmul.f32 v27, v6;
	v27 =	vpop (erf)  }
0xaa: {  	v26 =	vperm.xlane v26, v2;
	v17 =	vadd.f32 v19, v13;
	v19 =	vld [tilespmem:s30+$0x0];
	v56 =	vadd.f32 $1.000000000e+00, v27;
	v57 =	vpop (erf)  }
0xab: {  	v31 =	vmul.f32 v31, v7;
	v34 =	vmul.f32 v58, v6;
	v59 =	vadd.f32 $1.000000000e+00, v57;
	v36 =	vpop (erf)  }
0xac: {  	v26 =	vmul.f32 v26, v7;
	v37 =	vadd.f32 $1.000000000e+00, v36;
	(erf) = vrcp.f32 v56;
	v60 =	vpop (erf)  }
0xad: {  	v17 =	vperm.xlane v17, v3;
	v39 =	vadd.f32 $1.000000000e+00, v60;
	(erf) = vrcp.f32 v59  }
0xae: {  	v35 =	vadd.f32 v35, v8;
	v24 =	vperm.xlane v24, v2;
	(erf) = vrcp.f32 v37  }
0xaf: {  	v20 =	vadd.f32 v20, v13;
	v53 =	vperm.xlane v19, v0;
	(erf) = vrcp.f32 v39  }
0xb0: {  	v34 =	vadd.f32 v34, v8;
	v22 =	vmul.f32 v22, v6;
	v23 =	vmul.f32 v23, v7  }
0xb1: {  	v26 =	vadd.f32 v26, v9;
	v19 =	vperm.xlane v19, v2;
	v24 =	vmul.f32 v24, v7  }
0xb2: {  	v22 =	vadd.f32 v22, v8;
	v29 =	vmul.f32 v53, v6;
	v23 =	vadd.f32 v23, v9  }
0xb3: {  	v19 =	vmul.f32 v19, v7;
	v25 =	vadd.f32 v25, v8;
	v24 =	vadd.f32 v24, v9  }
0xb4: {  	v22 =	vmin.f32 v22, $3.000000000e+01;
	v23 =	vmin.f32 v23, $3.000000000e+01;
	v27 =	vadd.f32 $-1.000000000e+00, v27  }
0xb5: {  	v25 =	vmin.f32 v25, $3.000000000e+01;
	v24 =	vmin.f32 v24, $3.000000000e+01;
	v22 =	vmul.f32 $1.442695020e+00, v22;
	v63 =	vpop (erf)  }
0xb6: {  	v23 =	vmul.f32 $1.442695020e+00, v23;
	v33 =	vadd.f32 $-1.000000000e+00, v57;
	v36 =	vadd.f32 $-1.000000000e+00, v36;
	v44 =	vpop (erf)  }
0xb7: {  	v25 =	vmul.f32 $1.442695020e+00, v25;
	v24 =	vmul.f32 $1.442695020e+00, v24;
	v32 =	vadd.f32 $-1.000000000e+00, v60;
	v40 =	vpop (erf)  }
0xb8: {  	v34 =	vmin.f32 v34, $3.000000000e+01;
	v33 =	vmul.f32 v44, v33;
	v36 =	vmul.f32 v40, v36;
	v45 =	vpop (erf)  }
0xb9: {  	v26 =	vmin.f32 v26, $3.000000000e+01;
	v27 =	vmul.f32 v63, v27;
	v32 =	vmul.f32 v45, v32  }
0xba: {  	v29 =	vadd.f32 v29, v8;
	v46 =	vmul.f32 v33, v11;
	v47 =	vmul.f32 v36, v14  }
0xbb: {  	v19 =	vadd.f32 v19, v9;
	v48 =	vmul.f32 v27, v11;
	v33 =	vmul.f32 v33, v10  }
0xbc: {  	v36 =	vmul.f32 v36, v12;
	v49 =	vmul.f32 v32, v14;
	v38 =	vadd.f32 v47, v46  }
0xbd: {  	v29 =	vmin.f32 v29, $3.000000000e+01;
	v27 =	vmul.f32 v27, v10;
	v32 =	vmul.f32 v32, v12  }
0xbe: {  	v33 =	vadd.f32 v36, v33;
	v39 =	vadd.f32 v49, v48;
	v50 =	vperm.xlane v38, v3  }
0xbf: {  	v56 =	vmul.f32 $1.442695020e+00, v34;
	v29 =	vmul.f32 $1.442695020e+00, v29;
	v27 =	vadd.f32 v32, v27  }
0xc0: {  	v51 =	vperm.xlane v33, v3;
	v52 =	vperm.xlane v39, v3;
	v36 =	vadd.f32 v38, v50  }
0xc1: {  	v19 =	vmin.f32 v19, $3.000000000e+01;
	(erf) = vpow2.f32 v22;
	v22 =	vperm.xlane v27, v3  }
0xc2: {  	v32 =	vadd.f32 v33, v51;
	v54 =	vadd.f32 v39, v52;
	v53 =	vperm.xlane v36, v5  }
0xc3: {  	v19 =	vmul.f32 $1.442695020e+00, v19;
	v37 =	vadd.f32 v62, v8;
	(erf) = vpow2.f32 v23  }
0xc4: {  	v22 =	vadd.f32 v27, v22;
	v27 =	vperm.xlane v54, v5;
	v23 =	vadd.f32 v32, v53  }
0xc5: {  	v55 =	vmin.f32 v37, $3.000000000e+01;
	(erf) = vpow2.f32 v25;
	v25 =	vmul.f32 $1.442695020e+00, v26  }
0xc6: {  	(erf) = vpow2.f32 v24;
	v22 =	vadd.f32 v22, v27;
	v23 =	vadd.f32 v23, v13  }
0xc7: {  	v26 =	vmul.f32 $1.442695020e+00, v55;
	v24 =	vmin.f32 v30, $3.000000000e+01;
	(erf) = vpow2.f32 v29  }
0xc8: {  	(erf) = vpow2.f32 v19;
	v19 =	vadd.f32 v22, v13;
	v22 =	vperm.xlane v23, v3  }
0xc9: {  	v31 =	vadd.f32 v31, v9;
	v24 =	vmul.f32 $1.442695020e+00, v24;
	(erf) = vpow2.f32 v56  }
0xca: {  	(erf) = vpow2.f32 v25;
	v23 =	vmin.f32 v35, $3.000000000e+01;
	v19 =	vsel vm0, v22, v19  }
0xcb: {  	(erf) = vpow2.f32 v26;
	v22 =	vmul.f32 $1.442695020e+00, v23;
	v19 =	vmin.f32 v19, $3.000000000e+01  }
0xcc: {  	v25 =	vpop (erf);
	(erf) = vpow2.f32 v24;
	v23 =	vmin.f32 v31, $3.000000000e+01;
	v19 =	vmul.f32 $1.442695020e+00, v19  }
0xcd: {  	v24 =	vpop (erf);
	v23 =	vmul.f32 $1.442695020e+00, v23;
	(erf) = vpow2.f32 v22;
	v22 =	vadd.f32 $1.000000000e+00, v25  }
0xce: {  	v18 =	vadd.f32 v28, v18;
	v26 =	vpop (erf);
	(erf) = vpow2.f32 v19;
	v19 =	vadd.f32 v21, v13  }
0xcf: {  	v27 =	vpop (erf);
	v21 =	vadd.f32 $1.000000000e+00, v24;
	(erf) = vpow2.f32 v23;
	v23 =	vadd.f32 $1.000000000e+00, v26  }
0xd0: {  	v20 =	vperm.xlane v20, v3;
	v18 =	vadd.f32 v18, v13;
	v57 =	vpop (erf);
	(erf) = vrcp.f32 v22  }
0xd1: {  	v17 =	vsel vm0, v17, v19;
	v19 =	vadd.f32 $1.000000000e+00, v27;
	v22 =	vpop (erf);
	(erf) = vrcp.f32 v21  }
0xd2: {  	v18 =	vsel vm0, v20, v18;
	v21 =	vadd.f32 $1.000000000e+00, v57;
	v58 =	vpop (erf);
	(erf) = vrcp.f32 v23  }
0xd3: {  	v20 =	vadd.f32 $1.000000000e+00, v22;
	v23 =	vpop (erf);
	(erf) = vrcp.f32 v19;
	v19 =	vadd.f32 $1.000000000e+00, v58  }
0xd4: {  	v18 =	vmin.f32 v18, $3.000000000e+01;
	v59 =	vpop (erf);
	(erf) = vrcp.f32 v21;
	v21 =	vadd.f32 $1.000000000e+00, v23  }
0xd5: {  	(erf) = vrcp.f32 v20;
	v20 =	vmul.f32 $1.442695020e+00, v18;
	v18 =	vadd.f32 $1.000000000e+00, v59  }
0xd6: {  	v32 =	vadd.f32 $1.000000000e+00, v16;
	v28 =	vadd.f32 $-1.000000000e+00, v57;
	v60 =	vpop (erf)  }
0xd7: {  	v25 =	vadd.f32 $-1.000000000e+00, v25;
	v24 =	vadd.f32 $-1.000000000e+00, v24;
	(erf) = vrcp.f32 v19;
	v19 =	vpop (erf)  }
0xd8: {  	v26 =	vadd.f32 $-1.000000000e+00, v26;
	v61 =	vadd.f32 $1.000000000e+00, v60;
	(erf) = vrcp.f32 v21;
	v21 =	vpop (erf)  }
0xd9: {  	v17 =	vmin.f32 v17, $3.000000000e+01;
	(erf) = vrcp.f32 v18;
	v62 =	vadd.f32 $1.000000000e+00, v21;
	v18 =	vpop (erf)  }
0xda: {  	v17 =	vmul.f32 $1.442695020e+00, v17;
	v63 =	vadd.f32 $1.000000000e+00, v19;
	v40 =	vpop (erf);
	(erf) = vrcp.f32 v61  }
0xdb: {  	v41 =	vadd.f32 $1.000000000e+00, v18;
	v42 =	vpop (erf);
	(erf) = vrcp.f32 v62;
	v25 =	vmul.f32 v40, v25  }
0xdc: {  	v27 =	vadd.f32 $-1.000000000e+00, v27;
	v43 =	vpop (erf);
	(erf) = vrcp.f32 v63;
	v24 =	vmul.f32 v42, v24  }
0xdd: {  	v22 =	vadd.f32 $-1.000000000e+00, v22;
	v44 =	vpop (erf);
	(erf) = vrcp.f32 v41;
	v26 =	vmul.f32 v43, v26  }
0xde: {  	v29 =	vadd.f32 $-1.000000000e+00, v58;
	v45 =	vmul.f32 v25, v11;
	v25 =	vmul.f32 v25, v10  }
0xdf: {  	v55 =	vadd.f32 $-1.000000000e+00, v18;
	v46 =	vpop (erf);
	v27 =	vmul.f32 v44, v27;
	v47 =	vmul.f32 v24, v14  }
0xe0: {  	v18 =	vadd.f32 $-1.000000000e+00, v16;
	v16 =	vmul.f32 v24, v12;
	v28 =	vmul.f32 v46, v28  }
0xe1: {  	v23 =	vadd.f32 $-1.000000000e+00, v23;
	v48 =	vpop (erf);
	v49 =	vmul.f32 v26, v11;
	v26 =	vmul.f32 v26, v10  }
0xe2: {  	v30 =	vadd.f32 $-1.000000000e+00, v59;
	v36 =	vmul.f32 v48, v22;
	v51 =	vmul.f32 v27, v14  }
0xe3: {  	v31 =	vadd.f32 $-1.000000000e+00, v60;
	v50 =	vpop (erf);
	v27 =	vmul.f32 v27, v12;
	v52 =	vmul.f32 v28, v11  }
0xe4: {  	v24 =	vadd.f32 v47, v45;
	v22 =	vpop (erf);
	v29 =	vmul.f32 v50, v29;
	v28 =	vmul.f32 v28, v10  }
0xe5: {  	v16 =	vadd.f32 v16, v25;
	v54 =	vmul.f32 v36, v14;
	v23 =	vmul.f32 v22, v23  }
0xe6: {  	v60 =	vmul.f32 v36, v12;
	v26 =	vadd.f32 v27, v26;
	v27 =	vperm.xlane v24, v3  }
0xe7: {  	v53 =	vpop (erf);
	v44 =	vperm.xlane v16, v3;
	(erf) = vpow2.f32 v17  }
0xe8: {  	v21 =	vadd.f32 $-1.000000000e+00, v21;
	v30 =	vmul.f32 v53, v30;
	v56 =	vmul.f32 v29, v11  }
0xe9: {  	v34 =	vadd.f32 v51, v49;
	v22 =	vpop (erf);
	v29 =	vmul.f32 v29, v10;
	(erf) = vpow2.f32 v20  }
0xea: {  	v19 =	vadd.f32 $-1.000000000e+00, v19;
	v31 =	vmul.f32 v22, v31;
	v57 =	vmul.f32 v23, v14  }
0xeb: {  	v58 =	vadd.f32 v54, v52;
	v63 =	vperm.xlane v34, v3;
	v23 =	vmul.f32 v23, v12  }
0xec: {  	s31 =	simm.s32 $0xA00;
	v22 =	vpop (erf);
	v28 =	vadd.f32 v60, v28;
	v46 =	vperm.xlane v26, v3;
	(erf) = vrcp.f32 v32  }
0xed: {  	v49 =	vld [tilespmem:s31+$0x180];
	v24 =	vadd.f32 v24, v27;
	v22 =	vmul.f32 v22, v21;
	v21 =	vpop (erf);
	v59 =	vmul.f32 v30, v11  }
0xee: {  	v16 =	vadd.f32 v16, v44;
	v30 =	vmul.f32 v30, v10;
	v19 =	vmul.f32 v21, v19  }
0xef: {  	v25 =	vmul.f32 v31, v14;
	v33 =	vadd.f32 v57, v56;
	v40 =	vperm.xlane v58, v3  }
0xf0: {  	v21 =	vpop (erf);
	v31 =	vmul.f32 v31, v12;
	v27 =	vadd.f32 v34, v63;
	v24 =	vperm.xlane v24, v5  }
0xf1: {  	v23 =	vadd.f32 v23, v29;
	v48 =	vperm.xlane v28, v3;
	v21 =	vmul.f32 v21, v55  }
0xf2: {  	v26 =	vadd.f32 v26, v46;
	v52 =	vperm.xlane v49, v2;
	v61 =	vmul.f32 v19, v11  }
0xf3: {  	v25 =	vadd.f32 v25, v59;
	v19 =	vmul.f32 v19, v10;
	v45 =	vperm.xlane v33, v3  }
0xf4: {  	v56 =	vld [tilespmem:s31+$0xFFFFFE80];
	v37 =	vadd.f32 v58, v40;
	v51 =	vperm.xlane v23, v3;
	v16 =	vadd.f32 v16, v24  }
0xf5: {  	v24 =	vld [tilespmem:s31+$0x100];
	v62 =	vmul.f32 v21, v14;
	v21 =	vmul.f32 v21, v12;
	v33 =	vadd.f32 v33, v45  }
0xf6: {  	v30 =	vadd.f32 v31, v30;
	v27 =	vperm.xlane v27, v5;
	v47 =	vperm.xlane v25, v3  }
0xf7: {  	v23 =	vadd.f32 v23, v51;
	v19 =	vadd.f32 v21, v19;
	v21 =	vperm.xlane v33, v5  }
0xf8: {  	v16 =	vadd.f32 v16, v13;
	v17 =	vperm.xlane v37, v5;
	v43 =	vadd.f32 v62, v61  }
0xf9: {  	v41 =	vperm.xlane v56, v0;
	v20 =	vadd.f32 v23, v21;
	v21 =	vperm.xlane v49, v0  }
0xfa: {  	v31 =	vperm.xlane v56, v2;
	v23 =	vadd.f32 v25, v47;
	v25 =	vperm.xlane v24, v0  }
0xfb: {  	v16 =	vperm.xlane v16, v3;
	v20 =	vadd.f32 v20, v13;
	v21 =	vmul.f32 v21, v6  }
0xfc: {  	v28 =	vadd.f32 v28, v48;
	v24 =	vperm.xlane v24, v2;
	v25 =	vmul.f32 v25, v6  }
0xfd: {  	v50 =	vperm.xlane v43, v3;
	v16 =	vsel vm0, v16, v20;
	v21 =	vadd.f32 v21, v8  }
0xfe: {  	v59 =	vld [tilespmem:s31+$0xFFFFFF80];
	v20 =	vmul.f32 v24, v7;
	v24 =	vadd.f32 v25, v8;
	v16 =	vmin.f32 v16, $3.000000000e+01  }
0xff: {  	v25 =	vmul.f32 v52, v7;
	v16 =	vmul.f32 $1.442695020e+00, v16;
	v21 =	vmin.f32 v21, $3.000000000e+01  }
0x100: {  	v20 =	vadd.f32 v20, v9;
	v24 =	vmin.f32 v24, $3.000000000e+01;
	v21 =	vmul.f32 $1.442695020e+00, v21  }
0x101: {  	v25 =	vadd.f32 v25, v9;
	(erf) = vpow2.f32 v16;
	v16 =	vmul.f32 $1.442695020e+00, v24  }
0x102: {  	v20 =	vmin.f32 v20, $3.000000000e+01;
	(erf) = vpow2.f32 v21;
	v21 =	vadd.f32 v26, v27  }
0x103: {  	v48 =	vperm.xlane v59, v0;
	v24 =	vmin.f32 v25, $3.000000000e+01;
	v20 =	vmul.f32 $1.442695020e+00, v20  }
0x104: {  	v24 =	vmul.f32 $1.442695020e+00, v24;
	(erf) = vpow2.f32 v16;
	v21 =	vadd.f32 v21, v13  }
0x105: {  	v23 =	vperm.xlane v23, v5;
	(erf) = vpow2.f32 v20;
	v20 =	vadd.f32 v43, v50  }
0x106: {  	v62 =	vld [tilespmem:s31+$0x80];
	v17 =	vadd.f32 v28, v17;
	v16 =	vperm.xlane v30, v3;
	(erf) = vpow2.f32 v24  }
0x107: {  	v24 =	vperm.xlane v19, v3;
	v20 =	vperm.xlane v20, v5  }
0x108: {  	v28 =	vadd.f32 v17, v13;
	v53 =	vadd.f32 v30, v16;
	v17 =	vperm.xlane v21, v3;
	v21 =	vpop (erf)  }
0x109: {  	v34 =	vperm.xlane v59, v2;
	v31 =	vmul.f32 v31, v7;
	v24 =	vadd.f32 v19, v24;
	v19 =	vpop (erf)  }
0x10a: {  	v41 =	vmul.f32 v41, v6;
	v38 =	vmul.f32 v48, v6;
	v29 =	vadd.f32 v53, v23;
	v23 =	vpop (erf)  }
0x10b: {  	v31 =	vadd.f32 v31, v9;
	v49 =	vperm.xlane v62, v0;
	v25 =	vld [tilespmem:s31+$0xFFFFFE00];
	v24 =	vadd.f32 v24, v20;
	v20 =	vpop (erf)  }
0x10c: {  	v34 =	vmul.f32 v34, v7;
	v41 =	vadd.f32 v41, v8;
	v37 =	vperm.xlane v62, v2;
	v58 =	vpop (erf)  }
0x10d: {  	v31 =	vmin.f32 v31, $3.000000000e+01;
	v40 =	vmul.f32 v49, v6;
	v26 =	vld [tilespmem:s31+$0xFFFFFF00];
	v60 =	vadd.f32 $1.000000000e+00, v58;
	v61 =	vpop (erf)  }
0x10e: {  	v37 =	vmul.f32 v37, v7;
	v44 =	vmul.f32 $1.442695020e+00, v31;
	v63 =	vadd.f32 $1.000000000e+00, v61;
	v45 =	vpop (erf)  }
0x10f: {  	v16 =	vperm.xlane v28, v3;
	v46 =	vadd.f32 $1.000000000e+00, v45;
	(erf) = vrcp.f32 v60;
	v47 =	vpop (erf)  }
0x110: {  	v27 =	vld [tilespmem:s31+$0x0];
	v54 =	vperm.xlane v25, v0;
	v42 =	vadd.f32 $1.000000000e+00, v47;
	(erf) = vrcp.f32 v63  }
0x111: {  	v38 =	vadd.f32 v38, v8;
	v25 =	vperm.xlane v25, v2;
	(erf) = vrcp.f32 v46  }
0x112: {  	v34 =	vadd.f32 v34, v9;
	v55 =	vperm.xlane v26, v0;
	(erf) = vrcp.f32 v42  }
0x113: {  	v41 =	vmin.f32 v41, $3.000000000e+01;
	v26 =	vperm.xlane v26, v2;
	v28 =	vmul.f32 v54, v6  }
0x114: {  	v40 =	vadd.f32 v40, v8;
	v25 =	vmul.f32 v25, v7;
	v30 =	vmul.f32 v55, v6  }
0x115: {  	v57 =	vperm.xlane v27, v0;
	v27 =	vperm.xlane v27, v2;
	v28 =	vadd.f32 v28, v8  }
0x116: {  	v26 =	vmul.f32 v26, v7;
	v25 =	vadd.f32 v25, v9;
	v30 =	vadd.f32 v30, v8  }
0x117: {  	v32 =	vmul.f32 v57, v6;
	v27 =	vmul.f32 v27, v7;
	v28 =	vmin.f32 v28, $3.000000000e+01  }
0x118: {  	v25 =	vmin.f32 v25, $3.000000000e+01;
	v30 =	vmin.f32 v30, $3.000000000e+01;
	v33 =	vadd.f32 $-1.000000000e+00, v58;
	v50 =	vpop (erf)  }
0x119: {  	v28 =	vmul.f32 $1.442695020e+00, v28;
	v36 =	vadd.f32 $-1.000000000e+00, v61;
	v39 =	vadd.f32 $-1.000000000e+00, v45;
	v43 =	vpop (erf)  }
0x11a: {  	v25 =	vmul.f32 $1.442695020e+00, v25;
	v30 =	vmul.f32 $1.442695020e+00, v30;
	v35 =	vadd.f32 $-1.000000000e+00, v47;
	v51 =	vpop (erf)  }
0x11b: {  	v26 =	vadd.f32 v26, v9;
	v36 =	vmul.f32 v43, v36;
	v39 =	vmul.f32 v51, v39;
	v52 =	vpop (erf)  }
0x11c: {  	v32 =	vadd.f32 v32, v8;
	v33 =	vmul.f32 v50, v33;
	v35 =	vmul.f32 v52, v35  }
0x11d: {  	v27 =	vadd.f32 v27, v9;
	v53 =	vmul.f32 v36, v11;
	v54 =	vmul.f32 v39, v14  }
0x11e: {  	v26 =	vmin.f32 v26, $3.000000000e+01;
	v55 =	vmul.f32 v33, v11;
	v36 =	vmul.f32 v36, v10  }
0x11f: {  	v39 =	vmul.f32 v39, v12;
	v56 =	vmul.f32 v35, v14;
	v42 =	vadd.f32 v54, v53  }
0x120: {  	v32 =	vmin.f32 v32, $3.000000000e+01;
	v33 =	vmul.f32 v33, v10;
	v35 =	vmul.f32 v35, v12  }
0x121: {  	v36 =	vadd.f32 v39, v36;
	v39 =	vadd.f32 v56, v55;
	v57 =	vperm.xlane v42, v3  }
0x122: {  	v26 =	vmul.f32 $1.442695020e+00, v26;
	v32 =	vmul.f32 $1.442695020e+00, v32;
	v33 =	vadd.f32 v35, v33  }
0x123: {  	v58 =	vperm.xlane v36, v3;
	v59 =	vperm.xlane v39, v3;
	v42 =	vadd.f32 v42, v57  }
0x124: {  	v27 =	vmin.f32 v27, $3.000000000e+01;
	(erf) = vpow2.f32 v28;
	v60 =	vperm.xlane v33, v3  }
0x125: {  	v35 =	vadd.f32 v36, v58;
	v39 =	vadd.f32 v39, v59;
	v61 =	vperm.xlane v42, v5  }
0x126: {  	v27 =	vmul.f32 $1.442695020e+00, v27;
	v63 =	vmin.f32 v38, $3.000000000e+01;
	(erf) = vpow2.f32 v25  }
0x127: {  	v28 =	vadd.f32 v33, v60;
	v62 =	vperm.xlane v39, v5;
	v25 =	vadd.f32 v35, v61  }
0x128: {  	v37 =	vadd.f32 v37, v9;
	v45 =	vmul.f32 $1.442695020e+00, v63;
	(erf) = vpow2.f32 v30  }
0x129: {  	(erf) = vpow2.f32 v26;
	v26 =	vadd.f32 v28, v62;
	v25 =	vadd.f32 v25, v13  }
0x12a: {  	v29 =	vadd.f32 v29, v13;
	(erf) = vpow2.f32 v32;
	v42 =	vmul.f32 $1.442695020e+00, v41  }
0x12b: {  	(erf) = vpow2.f32 v27;
	v26 =	vadd.f32 v26, v13;
	v25 =	vperm.xlane v25, v3  }
0x12c: {  	v27 =	vmin.f32 v40, $3.000000000e+01;
	v43 =	vmin.f32 v34, $3.000000000e+01;
	(erf) = vpow2.f32 v42  }
0x12d: {  	v28 =	vmul.f32 $1.442695020e+00, v43;
	(erf) = vpow2.f32 v44;
	v25 =	vsel vm0, v25, v26  }
0x12e: {  	(erf) = vpow2.f32 v45;
	v26 =	vmul.f32 $1.442695020e+00, v27;
	v25 =	vmin.f32 v25, $3.000000000e+01  }
0x12f: {  	v46 =	vpop (erf);
	(erf) = vpow2.f32 v28;
	v27 =	vmin.f32 v37, $3.000000000e+01;
	v25 =	vmul.f32 $1.442695020e+00, v25  }
0x130: {  	v47 =	vpop (erf);
	v27 =	vmul.f32 $1.442695020e+00, v27;
	(erf) = vpow2.f32 v26;
	v26 =	vadd.f32 $1.000000000e+00, v46  }
0x131: {  	v24 =	vadd.f32 v24, v13;
	v17 =	vsel vm0, v17, v29;
	v48 =	vpop (erf);
	(erf) = vpow2.f32 v25  }
0x132: {  	v17 =	vmin.f32 v17, $3.000000000e+01;
	v49 =	vpop (erf);
	v25 =	vadd.f32 $1.000000000e+00, v47;
	(erf) = vpow2.f32 v27  }
0x133: {  	v16 =	vsel vm0, v16, v24;
	v32 =	vpop (erf);
	v27 =	vadd.f32 $1.000000000e+00, v48;
	(erf) = vrcp.f32 v26  }
0x134: {  	v24 =	vmul.f32 $1.442695020e+00, v17;
	v17 =	vadd.f32 $1.000000000e+00, v49;
	v26 =	vpop (erf);
	(erf) = vrcp.f32 v25  }
0x135: {  	v23 =	vmul.f32 v23, v18;
	v50 =	vadd.f32 $1.000000000e+00, v32;
	v51 =	vpop (erf);
	(erf) = vrcp.f32 v27  }
0x136: {  	v16 =	vmin.f32 v16, $3.000000000e+01;
	v27 =	vadd.f32 $1.000000000e+00, v26;
	v52 =	vpop (erf);
	(erf) = vrcp.f32 v17  }
0x137: {  	v29 =	vadd.f32 $-1.000000000e+00, v48;
	v53 =	vadd.f32 $1.000000000e+00, v51;
	v54 =	vpop (erf);
	(erf) = vrcp.f32 v50  }
0x138: {  	v31 =	vadd.f32 $-1.000000000e+00, v49;
	v55 =	vadd.f32 $1.000000000e+00, v52;
	v56 =	vpop (erf);
	(erf) = vrcp.f32 v27  }
0x139: {  	v32 =	vadd.f32 $-1.000000000e+00, v32;
	v57 =	vadd.f32 $1.000000000e+00, v54;
	v58 =	vpop (erf);
	(erf) = vrcp.f32 v53  }
0x13a: {  	v28 =	vadd.f32 $-1.000000000e+00, v47;
	v59 =	vadd.f32 $1.000000000e+00, v56;
	(erf) = vrcp.f32 v55;
	v60 =	vpop (erf)  }
0x13b: {  	v27 =	vadd.f32 $-1.000000000e+00, v46;
	v61 =	vadd.f32 $1.000000000e+00, v60;
	(erf) = vrcp.f32 v57;
	v62 =	vpop (erf)  }
0x13c: {  	v25 =	vmul.f32 $1.442695020e+00, v16;
	v18 =	vadd.f32 $1.000000000e+00, v58;
	v63 =	vpop (erf);
	(erf) = vrcp.f32 v59  }
0x13d: {  	v45 =	vadd.f32 $1.000000000e+00, v62;
	v46 =	vpop (erf);
	(erf) = vrcp.f32 v61;
	v27 =	vmul.f32 v63, v27  }
0x13e: {  	v47 =	vpop (erf);
	(erf) = vrcp.f32 v18;
	v18 =	vadd.f32 $-1.000000000e+00, v26;
	v26 =	vmul.f32 v46, v28  }
0x13f: {  	v16 =	vadd.f32 $1.000000000e+00, v21;
	(erf) = vrcp.f32 v45;
	v29 =	vmul.f32 v47, v29  }
0x140: {  	v34 =	vadd.f32 $-1.000000000e+00, v51;
	v48 =	vpop (erf);
	v49 =	vmul.f32 v27, v11;
	v27 =	vmul.f32 v27, v10  }
0x141: {  	v17 =	vadd.f32 $1.000000000e+00, v19;
	v50 =	vpop (erf);
	v28 =	vmul.f32 v48, v31;
	v51 =	vmul.f32 v26, v14  }
0x142: {  	v35 =	vadd.f32 $-1.000000000e+00, v52;
	v32 =	vmul.f32 v50, v32;
	v53 =	vmul.f32 v29, v11  }
0x143: {  	v19 =	vadd.f32 $-1.000000000e+00, v19;
	v52 =	vpop (erf);
	v29 =	vmul.f32 v29, v10;
	(erf) = vpow2.f32 v24  }
0x144: {  	v37 =	vadd.f32 $-1.000000000e+00, v54;
	v54 =	vpop (erf);
	v41 =	vmul.f32 v52, v18;
	v55 =	vmul.f32 v28, v14  }
0x145: {  	v38 =	vadd.f32 $-1.000000000e+00, v56;
	v34 =	vmul.f32 v54, v34;
	v44 =	vmul.f32 v32, v11  }
0x146: {  	v31 =	vadd.f32 v51, v49;
	v18 =	vpop (erf);
	v32 =	vmul.f32 v32, v10;
	(erf) = vpow2.f32 v25  }
0x147: {  	v36 =	vadd.f32 $-1.000000000e+00, v58;
	v56 =	vpop (erf);
	v35 =	vmul.f32 v18, v35;
	v58 =	vmul.f32 v41, v14  }
0x148: {  	v30 =	vadd.f32 $-1.000000000e+00, v62;
	v49 =	vperm.xlane v31, v3;
	v37 =	vmul.f32 v56, v37  }
0x149: {  	v40 =	vadd.f32 v55, v53;
	v57 =	vpop (erf);
	v62 =	vmul.f32 v34, v11;
	v34 =	vmul.f32 v34, v10  }
0x14a: {  	v18 =	vadd.f32 $-1.000000000e+00, v60;
	v33 =	vmul.f32 v57, v38;
	v45 =	vmul.f32 v35, v14  }
0x14b: {  	v59 =	vpop (erf);
	v63 =	vadd.f32 v58, v44;
	v51 =	vperm.xlane v40, v3;
	v35 =	vmul.f32 v35, v12  }
0x14c: {  	v38 =	vmul.f32 v59, v18;
	v18 =	vadd.f32 $-1.000000000e+00, v21;
	v21 =	vmul.f32 v26, v12  }
0x14d: {  	v31 =	vadd.f32 v31, v49;
	v60 =	vpop (erf);
	v46 =	vmul.f32 v37, v11;
	v37 =	vmul.f32 v37, v10  }
0x14e: {  	v26 =	vmul.f32 v60, v36;
	v39 =	vadd.f32 v45, v62;
	v47 =	vmul.f32 v33, v14  }
0x14f: {  	v61 =	vpop (erf);
	v52 =	vperm.xlane v63, v3;
	v33 =	vmul.f32 v33, v12;
	v40 =	vadd.f32 v40, v51  }
0x150: {  	v34 =	vadd.f32 v35, v34;
	v31 =	vperm.xlane v31, v5;
	v30 =	vmul.f32 v61, v30  }
0x151: {  	v27 =	vadd.f32 v21, v27;
	v21 =	vmul.f32 v28, v12;
	v48 =	vmul.f32 v26, v11  }
0x152: {  	v28 =	vadd.f32 v47, v46;
	v26 =	vmul.f32 v26, v10;
	v54 =	vperm.xlane v39, v3  }
0x153: {  	v36 =	vadd.f32 v63, v52;
	v40 =	vperm.xlane v40, v5;
	v59 =	vperm.xlane v34, v3  }
0x154: {  	v29 =	vadd.f32 v21, v29;
	v21 =	vmul.f32 v41, v12;
	v50 =	vmul.f32 v30, v14  }
0x155: {  	v33 =	vadd.f32 v33, v37;
	v30 =	vmul.f32 v30, v12;
	v53 =	vperm.xlane v27, v3  }
0x156: {  	v56 =	vperm.xlane v28, v3;
	v39 =	vadd.f32 v39, v54;
	v34 =	vadd.f32 v34, v59  }
0x157: {  	v60 =	vperm.xlane v33, v3;
	v32 =	vadd.f32 v21, v32;
	v41 =	vadd.f32 v50, v48  }
0x158: {  	v21 =	vadd.f32 $1.000000000e+00, v20;
	v20 =	vadd.f32 $-1.000000000e+00, v20;
	v55 =	vperm.xlane v29, v3  }
0x159: {  	v26 =	vadd.f32 v30, v26;
	v27 =	vadd.f32 v27, v53;
	v57 =	vperm.xlane v32, v3  }
0x15a: {  	v28 =	vadd.f32 v28, v56;
	v33 =	vadd.f32 v33, v60;
	v58 =	vperm.xlane v41, v3  }
0x15b: {  	v36 =	vperm.xlane v36, v5;
	v29 =	vadd.f32 v29, v55;
	v30 =	vadd.f32 v32, v57  }
0x15c: {  	v27 =	vadd.f32 v27, v31;
	v62 =	vperm.xlane v26, v3;
	v61 =	vadd.f32 v41, v58  }
0x15d: {  	s20 =	simm.s32 $0x10220;
	v63 =	vperm.xlane v39, v5;
	v29 =	vadd.f32 v29, v40;
	v30 =	vadd.f32 v30, v36  }
0x15e: {  	s18 =	simm.s32 $0x10260;
	[tilespmem:s20+$0x10] =	vst v15;
	v28 =	vperm.xlane v28, v5;
	v15 =	vadd.f32 v27, v13;
	v26 =	vadd.f32 v26, v62  }
0x15f: {  	[tilespmem:s18+$0x10] =	vst v22;
	v32 =	vperm.xlane v61, v5;
	v22 =	vadd.f32 v29, v13;
	v27 =	vadd.f32 v30, v13  }
0x160: {  	s19 =	simm.s32 $0x102A0;
	[tilespmem:s20+$0xFFFFFFE0] =	vst v23;
	v24 =	vadd.f32 v34, v63;
	v25 =	vadd.f32 v33, v28;
	v23 =	vperm.xlane v15, v3  }
0x161: {  	s21 =	simm.s32 $0x8;
	s22 =	simm.s32 $0xE00;
	[tilespmem:s19+$0x10] =	vst v38;
	v22 =	vperm.xlane v22, v3;
	v26 =	vadd.f32 v26, v32;
	v15 =	vperm.xlane v27, v3  }
.LBB2_2:
0x162: {  	v27 =	vld [tilespmem:s22+$0x180];
	v24 =	vadd.f32 v24, v13;
	v25 =	vadd.f32 v25, v13;
	(erf) = vrcp.f32 v21  }
0x163: {  	v21 =	vld [tilespmem:s22+$0x100];
	v26 =	vadd.f32 v26, v13;
	(erf) = vrcp.f32 v16  }
0x164: {  	s21 =	sadd.s32 $0x4, s21;
	v28 =	vld [tilespmem:s22+$0xFFFFFF00];
	v16 =	vsel vm0, v23, v24;
	v22 =	vsel vm0, v22, v25;
	(erf) = vrcp.f32 v17  }
0x165: {  	p0 =	slt.u32 s21, $0xFC;
	v29 =	vld [tilespmem:s22+$0x0];
	v16 =	vmin.f32 v16, $3.000000000e+01;
	v17 =	vmin.f32 v22, $3.000000000e+01;
	v22 =	vsel vm0, v15, v26  }
0x166: {  	v23 =	vld [tilespmem:s22+$0xFFFFFE00];
	v16 =	vmul.f32 $1.442695020e+00, v16;
	v15 =	vmul.f32 $1.442695020e+00, v17;
	v17 =	vmin.f32 v22, $3.000000000e+01  }
0x167: {  	v30 =	vld [tilespmem:s22+$0xFFFFFE80];
	v24 =	vperm.xlane v27, v0;
	v22 =	vmul.f32 $1.442695020e+00, v17;
	v25 =	vpop (erf)  }
0x168: {  	v31 =	vld [tilespmem:s22+$0xFFFFFF80];
	v26 =	vperm.xlane v21, v0;
	(erf) = vpow2.f32 v16;
	v16 =	vadd.f32 $1.000000000e+00, v25;
	v32 =	vpop (erf)  }
0x169: {  	v21 =	vperm.xlane v21, v2;
	v33 =	vld [tilespmem:s22+$0x80];
	v24 =	vmul.f32 v24, v6;
	v17 =	vadd.f32 $1.000000000e+00, v32  }
0x16a: {  	v34 =	vperm.xlane v27, v2;
	v25 =	vadd.f32 $-1.000000000e+00, v25;
	v38 =	vmul.f32 v26, v6  }
0x16b: {  	v21 =	vmul.f32 v21, v7;
	v35 =	vperm.xlane v23, v0;
	v24 =	vadd.f32 v24, v8;
	v27 =	vpop (erf)  }
0x16c: {  	v34 =	vmul.f32 v34, v7;
	v36 =	vperm.xlane v23, v2;
	v37 =	vadd.f32 v38, v8;
	v26 =	vpop (erf)  }
0x16d: {  	v38 =	vperm.xlane v28, v0;
	v21 =	vadd.f32 v21, v9;
	v24 =	vmin.f32 v24, $3.000000000e+01;
	v23 =	vpop (erf)  }
0x16e: {  	v34 =	vadd.f32 v34, v9;
	v37 =	vmin.f32 v37, $3.000000000e+01;
	v24 =	vmul.f32 $1.442695020e+00, v24  }
0x16f: {  	v39 =	vperm.xlane v28, v2;
	v21 =	vmin.f32 v21, $3.000000000e+01;
	v37 =	vmul.f32 $1.442695020e+00, v37  }
0x170: {  	v34 =	vmin.f32 v34, $3.000000000e+01;
	v21 =	vmul.f32 $1.442695020e+00, v21;
	(erf) = vpow2.f32 v24  }
0x171: {  	v34 =	vmul.f32 $1.442695020e+00, v34;
	v24 =	vadd.f32 $-1.000000000e+00, v32;
	(erf) = vpow2.f32 v37;
	v28 =	vpop (erf)  }
0x172: {  	v32 =	vperm.xlane v29, v0;
	(erf) = vpow2.f32 v21;
	v21 =	vadd.f32 $1.000000000e+00, v28  }
0x173: {  	v29 =	vperm.xlane v29, v2;
	v28 =	vadd.f32 $-1.000000000e+00, v28;
	(erf) = vpow2.f32 v34  }
0x174: {  	v34 =	vmul.f32 v35, v6;
	v35 =	vmul.f32 v36, v7  }
0x175: {  	v37 =	vmul.f32 v39, v7;
	v36 =	vmul.f32 v38, v6  }
0x176: {  	v32 =	vmul.f32 v32, v6;
	v29 =	vmul.f32 v29, v7;
	v34 =	vadd.f32 v34, v8  }
0x177: {  	v38 =	vperm.xlane v30, v0;
	v30 =	vperm.xlane v30, v2;
	v35 =	vadd.f32 v35, v9  }
0x178: {  	v39 =	vperm.xlane v31, v0;
	v31 =	vperm.xlane v31, v2;
	v36 =	vadd.f32 v36, v8  }
0x179: {  	v40 =	vperm.xlane v33, v0;
	v33 =	vperm.xlane v33, v2;
	v37 =	vadd.f32 v37, v9;
	v41 =	vpop (erf)  }
0x17a: {  	v32 =	vadd.f32 v32, v8;
	v38 =	vmul.f32 v38, v6;
	v47 =	vadd.f32 $1.000000000e+00, v41;
	v43 =	vpop (erf)  }
0x17b: {  	v29 =	vadd.f32 v29, v9;
	v30 =	vmul.f32 v30, v7;
	v44 =	vadd.f32 $1.000000000e+00, v43;
	v45 =	vpop (erf)  }
0x17c: {  	v39 =	vmul.f32 v39, v6;
	v46 =	vadd.f32 $1.000000000e+00, v45;
	(erf) = vrcp.f32 v47;
	v42 =	vpop (erf)  }
0x17d: {  	v31 =	vmul.f32 v31, v7;
	v47 =	vadd.f32 $1.000000000e+00, v42;
	(erf) = vrcp.f32 v44  }
0x17e: {  	v40 =	vmul.f32 v40, v6;
	v34 =	vmin.f32 v34, $3.000000000e+01;
	(erf) = vrcp.f32 v46  }
0x17f: {  	v33 =	vmul.f32 v33, v7;
	v35 =	vmin.f32 v35, $3.000000000e+01;
	(erf) = vrcp.f32 v47  }
0x180: {  	v37 =	vmin.f32 v37, $3.000000000e+01;
	v32 =	vmin.f32 v32, $3.000000000e+01;
	v36 =	vmin.f32 v36, $3.000000000e+01  }
0x181: {  	v29 =	vmin.f32 v29, $3.000000000e+01;
	v38 =	vadd.f32 v38, v8;
	v30 =	vadd.f32 v30, v9  }
0x182: {  	v39 =	vadd.f32 v39, v8;
	v31 =	vadd.f32 v31, v9;
	v34 =	vmul.f32 $1.442695020e+00, v34  }
0x183: {  	v40 =	vadd.f32 v40, v8;
	v33 =	vadd.f32 v33, v9;
	v35 =	vmul.f32 $1.442695020e+00, v35  }
0x184: {  	v37 =	vmul.f32 $1.442695020e+00, v37;
	v36 =	vmul.f32 $1.442695020e+00, v36;
	v38 =	vmin.f32 v38, $3.000000000e+01  }
0x185: {  	v32 =	vmul.f32 $1.442695020e+00, v32;
	v29 =	vmul.f32 $1.442695020e+00, v29;
	v30 =	vmin.f32 v30, $3.000000000e+01;
	v44 =	vpop (erf)  }
0x186: {  	v39 =	vmin.f32 v39, $3.000000000e+01;
	v43 =	vadd.f32 $-1.000000000e+00, v43;
	v45 =	vadd.f32 $-1.000000000e+00, v45;
	v46 =	vpop (erf)  }
0x187: {  	v31 =	vmin.f32 v31, $3.000000000e+01;
	v41 =	vadd.f32 $-1.000000000e+00, v41;
	v42 =	vadd.f32 $-1.000000000e+00, v42;
	v47 =	vpop (erf)  }
0x188: {  	v40 =	vmin.f32 v40, $3.000000000e+01;
	v43 =	vmul.f32 v46, v43;
	v45 =	vmul.f32 v47, v45;
	v46 =	vpop (erf)  }
0x189: {  	v33 =	vmin.f32 v33, $3.000000000e+01;
	v41 =	vmul.f32 v44, v41;
	v42 =	vmul.f32 v46, v42  }
0x18a: {  	v44 =	vmul.f32 v43, v11;
	v46 =	vmul.f32 v45, v14  }
0x18b: {  	v43 =	vmul.f32 v43, v10;
	v45 =	vmul.f32 v45, v12  }
0x18c: {  	v47 =	vmul.f32 v42, v14;
	v44 =	vadd.f32 v46, v44;
	v46 =	vmul.f32 v41, v11  }
0x18d: {  	v42 =	vmul.f32 v42, v12;
	v41 =	vmul.f32 v41, v10  }
0x18e: {  	v43 =	vadd.f32 v45, v43;
	v45 =	vperm.xlane v44, v3;
	v46 =	vadd.f32 v47, v46  }
0x18f: {  	v38 =	vmul.f32 $1.442695020e+00, v38;
	v41 =	vadd.f32 v42, v41;
	(erf) = vpow2.f32 v34  }
0x190: {  	v34 =	vperm.xlane v43, v3;
	v42 =	vadd.f32 v44, v45;
	v44 =	vperm.xlane v46, v3  }
0x191: {  	v45 =	vperm.xlane v41, v3;
	(erf) = vpow2.f32 v35  }
0x192: {  	v34 =	vadd.f32 v43, v34;
	v35 =	vperm.xlane v42, v5;
	v42 =	vadd.f32 v46, v44  }
0x193: {  	v30 =	vmul.f32 $1.442695020e+00, v30;
	(erf) = vpow2.f32 v36  }
0x194: {  	v34 =	vadd.f32 v34, v35;
	v35 =	vadd.f32 v41, v45;
	v36 =	vperm.xlane v42, v5  }
0x195: {  	v39 =	vmul.f32 $1.442695020e+00, v39;
	(erf) = vpow2.f32 v37  }
0x196: {  	v34 =	vadd.f32 v34, v13;
	v36 =	vadd.f32 v35, v36;
	(erf) = vpow2.f32 v32  }
0x197: {  	v31 =	vmul.f32 $1.442695020e+00, v31;
	(erf) = vpow2.f32 v29  }
0x198: {  	v29 =	vmul.f32 $1.442695020e+00, v40;
	v32 =	vadd.f32 v36, v13;
	v37 =	vperm.xlane v34, v3;
	v35 =	vpop (erf)  }
0x199: {  	v33 =	vmul.f32 $1.442695020e+00, v33;
	v36 =	vadd.f32 $1.000000000e+00, v35;
	(erf) = vpow2.f32 v38  }
0x19a: {  	v35 =	vadd.f32 $-1.000000000e+00, v35;
	v32 =	vsel vm0, v37, v32;
	v34 =	vpop (erf);
	(erf) = vpow2.f32 v30  }
0x19b: {  	v30 =	vadd.f32 $1.000000000e+00, v34;
	v32 =	vmin.f32 v32, $3.000000000e+01;
	(erf) = vpow2.f32 v39  }
0x19c: {  	v34 =	vadd.f32 $-1.000000000e+00, v34;
	v38 =	vmul.f32 $1.442695020e+00, v32;
	v37 =	vpop (erf);
	(erf) = vpow2.f32 v31  }
0x19d: {  	v31 =	vadd.f32 $-1.000000000e+00, v37;
	v37 =	vadd.f32 $1.000000000e+00, v37;
	(erf) = vpow2.f32 v29  }
0x19e: {  	v27 =	vmul.f32 v27, v20;
	v20 =	vmov v28;
	v29 =	vpop (erf);
	(erf) = vpow2.f32 v38  }
0x19f: {  	v28 =	vadd.f32 $-1.000000000e+00, v29;
	v29 =	vadd.f32 $1.000000000e+00, v29;
	v32 =	vpop (erf);
	(erf) = vpow2.f32 v33  }
0x1a0: {  	v33 =	vadd.f32 $-1.000000000e+00, v32;
	v32 =	vadd.f32 $1.000000000e+00, v32;
	(erf) = vrcp.f32 v36;
	v36 =	vpop (erf);
	[tilespmem:s18+$0xFFFFFFE0] =	vst v27  }
0x1a1: {  	v27 =	vadd.f32 $-1.000000000e+00, v36;
	v36 =	vadd.f32 $1.000000000e+00, v36;
	(erf) = vrcp.f32 v30  }
0x1a2: {  	v26 =	vmul.f32 v26, v18;
	v18 =	vmov v25;
	v30 =	vpop (erf);
	(erf) = vrcp.f32 v37  }
0x1a3: {  	v25 =	vadd.f32 $-1.000000000e+00, v30;
	v39 =	vadd.f32 $1.000000000e+00, v30;
	v37 =	vpop (erf);
	(erf) = vrcp.f32 v29  }
0x1a4: {  	v29 =	vadd.f32 $-1.000000000e+00, v37;
	v40 =	vadd.f32 $1.000000000e+00, v37;
	v38 =	vpop (erf);
	(erf) = vrcp.f32 v32;
	[tilespmem:s20+$0xFFFFFFF0] =	vst v26  }
0x1a5: {  	v26 =	vadd.f32 $-1.000000000e+00, v38;
	v41 =	vadd.f32 $1.000000000e+00, v38;
	v38 =	vpop (erf);
	(erf) = vrcp.f32 v36  }
0x1a6: {  	v36 =	vadd.f32 $-1.000000000e+00, v38;
	v38 =	vadd.f32 $1.000000000e+00, v38;
	(erf) = vrcp.f32 v39;
	v30 =	vpop (erf)  }
0x1a7: {  	v39 =	vadd.f32 $-1.000000000e+00, v30;
	v30 =	vadd.f32 $1.000000000e+00, v30;
	(erf) = vrcp.f32 v40;
	v37 =	vpop (erf)  }
0x1a8: {  	v42 =	vmul.f32 v23, v19;
	v40 =	vadd.f32 $1.000000000e+00, v37;
	(erf) = vrcp.f32 v41;
	v32 =	vpop (erf)  }
0x1a9: {  	v23 =	vadd.f32 $-1.000000000e+00, v32;
	v32 =	vadd.f32 $1.000000000e+00, v32;
	v41 =	vpop (erf);
	(erf) = vrcp.f32 v38  }
0x1aa: {  	v19 =	vmov v24;
	v35 =	vmul.f32 v41, v35;
	v38 =	vpop (erf);
	(erf) = vrcp.f32 v40;
	[tilespmem:s20+$0x0] =	vst v42;
	s20 =	smov.u32 s18;
	s18 =	smov.u32 s19  }
0x1ab: {  	v24 =	vmul.f32 v38, v34;
	v34 =	vpop (erf);
	(erf) = vrcp.f32 v30  }
0x1ac: {  	v30 =	vmul.f32 v34, v31;
	v31 =	vpop (erf);
	(erf) = vrcp.f32 v32  }
0x1ad: {  	v32 =	vmul.f32 v35, v11;
	v28 =	vmul.f32 v31, v28;
	v31 =	vpop (erf)  }
0x1ae: {  	v34 =	vmul.f32 v24, v14;
	v31 =	vmul.f32 v31, v33;
	v33 =	vpop (erf)  }
0x1af: {  	v38 =	vmul.f32 v30, v11;
	v27 =	vmul.f32 v33, v27;
	v33 =	vpop (erf)  }
0x1b0: {  	v32 =	vadd.f32 v34, v32;
	v34 =	vmul.f32 v28, v14;
	v40 =	vmul.f32 v31, v11;
	v41 =	vpop (erf)  }
0x1b1: {  	v25 =	vmul.f32 v33, v25;
	v33 =	vmul.f32 v27, v14;
	v42 =	vpop (erf)  }
0x1b2: {  	v37 =	vadd.f32 $-1.000000000e+00, v37;
	v29 =	vmul.f32 v41, v29;
	v26 =	vmul.f32 v42, v26;
	v41 =	vpop (erf)  }
0x1b3: {  	v34 =	vadd.f32 v34, v38;
	v36 =	vmul.f32 v41, v36;
	v33 =	vadd.f32 v33, v40;
	v38 =	vpop (erf)  }
0x1b4: {  	v35 =	vmul.f32 v35, v10;
	v37 =	vmul.f32 v38, v37;
	v38 =	vpop (erf)  }
0x1b5: {  	s19 =	sadd.s32 $0x40, s19;
	v24 =	vmul.f32 v24, v12;
	v38 =	vmul.f32 v38, v39;
	v39 =	vpop (erf)  }
0x1b6: {  	v40 =	vmul.f32 v25, v11;
	v23 =	vmul.f32 v39, v23;
	[tilespmem:s19+$0x10] =	vst v37  }
0x1b7: {  	v30 =	vmul.f32 v30, v10;
	v24 =	vadd.f32 v24, v35;
	v35 =	vmul.f32 v29, v14  }
0x1b8: {  	v28 =	vmul.f32 v28, v12;
	v37 =	vmul.f32 v26, v11  }
0x1b9: {  	v31 =	vmul.f32 v31, v10;
	v35 =	vadd.f32 v35, v40;
	v39 =	vmul.f32 v36, v14  }
0x1ba: {  	v28 =	vadd.f32 v28, v30;
	v27 =	vmul.f32 v27, v12;
	v30 =	vmul.f32 v38, v11  }
0x1bb: {  	v40 =	vperm.xlane v32, v3;
	v37 =	vadd.f32 v39, v37;
	v39 =	vmul.f32 v23, v14  }
0x1bc: {  	v41 =	vperm.xlane v34, v3;
	v27 =	vadd.f32 v27, v31;
	v31 =	vperm.xlane v33, v3  }
0x1bd: {  	v25 =	vmul.f32 v25, v10;
	v29 =	vmul.f32 v29, v12;
	v30 =	vadd.f32 v39, v30  }
0x1be: {  	v26 =	vmul.f32 v26, v10;
	v36 =	vmul.f32 v36, v12;
	v32 =	vadd.f32 v32, v40  }
0x1bf: {  	v34 =	vadd.f32 v34, v41;
	v38 =	vmul.f32 v38, v10;
	v23 =	vmul.f32 v23, v12  }
0x1c0: {  	v40 =	vperm.xlane v35, v3;
	v31 =	vadd.f32 v33, v31;
	v39 =	vperm.xlane v24, v3  }
0x1c1: {  	v25 =	vadd.f32 v29, v25;
	v29 =	vperm.xlane v28, v3;
	v33 =	vperm.xlane v37, v3  }
0x1c2: {  	v26 =	vadd.f32 v36, v26;
	v36 =	vperm.xlane v27, v3;
	v41 =	vperm.xlane v30, v3  }
0x1c3: {  	v34 =	vperm.xlane v34, v5;
	v32 =	vperm.xlane v32, v5;
	v23 =	vadd.f32 v23, v38  }
0x1c4: {  	v35 =	vadd.f32 v35, v40;
	v31 =	vperm.xlane v31, v5;
	v24 =	vadd.f32 v24, v39  }
0x1c5: {  	v28 =	vadd.f32 v28, v29;
	v38 =	vperm.xlane v25, v3;
	v29 =	vadd.f32 v37, v33  }
0x1c6: {  	v27 =	vadd.f32 v27, v36;
	v33 =	vperm.xlane v26, v3;
	v30 =	vadd.f32 v30, v41  }
0x1c7: {  	v28 =	vadd.f32 v28, v34;
	v24 =	vadd.f32 v24, v32;
	v32 =	vperm.xlane v23, v3  }
0x1c8: {  	v34 =	vperm.xlane v35, v5;
	v27 =	vadd.f32 v27, v31;
	v29 =	vperm.xlane v29, v5  }
.Ltmp0:
0x1c9: {  	v25 =	vadd.f32 v25, v38;
	v26 =	vadd.f32 v26, v33;
	v30 =	vperm.xlane v30, v5;
	(pc) =	sbr.rel @p0 .LBB2_2-.Ltmp0, $4  }
0x1ca: {  	v31 =	vadd.f32 v24, v13;
	v32 =	vadd.f32 v23, v32;
	(erf) = vpow2.f32 v15  }
0x1cb: {  	v27 =	vadd.f32 v27, v13;
	v15 =	vadd.f32 v28, v13;
	(erf) = vpow2.f32 v22  }
0x1cc: {  	v24 =	vadd.f32 v25, v34;
	v25 =	vadd.f32 v26, v29;
	v23 =	vperm.xlane v31, v3  }
0x1cd: {  	s22 =	sadd.s32 $0x400, s22;
	v26 =	vadd.f32 v32, v30;
	v22 =	vperm.xlane v15, v3;
	v15 =	vperm.xlane v27, v3  }
0x1ce: {  	v6 =	vadd.f32 v24, v13;
	_ =	sdelay $0x1  }
0x1cf: {  	v7 =	vadd.f32 v25, v13;
	v6 =	vsel vm0, v23, v6  }
0x1d0: {  	(erf) = vrcp.f32 v21;
	v8 =	vadd.f32 v26, v13;
	v6 =	vmin.f32 v6, $3.000000000e+01  }
0x1d1: {  	(erf) = vrcp.f32 v16;
	v7 =	vsel vm0, v22, v7;
	v6 =	vmul.f32 $1.442695020e+00, v6  }
0x1d2: {  	(erf) = vrcp.f32 v17;
	v7 =	vmin.f32 v7, $3.000000000e+01;
	v8 =	vsel vm0, v15, v8  }
0x1d3: {  	(erf) = vpow2.f32 v6;
	v6 =	vmul.f32 $1.442695020e+00, v7;
	v7 =	vmin.f32 v8, $3.000000000e+01  }
0x1d4: {  	v7 =	vmul.f32 $1.442695020e+00, v7;
	_ =	sdelay $0x2  }
0x1d5: {  	(erf) = vpow2.f32 v6;
	v6 =	vpop (erf)  }
0x1d6: {  	(erf) = vpow2.f32 v7;
	v7 =	vpop (erf)  }
0x1d7: {  	v51 =	vpop (erf)  }
0x1d8: {  	v9 =	vpop (erf)  }
0x1d9: {  	v10 =	vpop (erf)  }
0x1da: {  	v11 =	vpop (erf)  }
0x1db: {  	v12 =	vadd.f32 $1.000000000e+00, v11  }
0x1dc: {  	v52 =	vadd.f32 $1.000000000e+00, v6  }
0x1dd: {  	(erf) = vrcp.f32 v12  }
0x1de: {  	(erf) = vrcp.f32 v52  }
0x1df: {  	v14 =	vadd.f32 $1.000000000e+00, v7;
	v53 =	vpop (erf)  }
0x1e0: {  	v54 =	vadd.f32 $1.000000000e+00, v53;
	v55 =	vpop (erf)  }
0x1e1: {  	(erf) = vrcp.f32 v14;
	v56 =	vadd.f32 $1.000000000e+00, v55  }
0x1e2: {  	(erf) = vrcp.f32 v54  }
0x1e3: {  	(erf) = vrcp.f32 v56;
	_ =	sdelay $0x2  }
0x1e4: {  	v6 =	vadd.f32 $-1.000000000e+00, v6;
	v8 =	vmul.f32 v51, v20;
	v58 =	vpop (erf)  }
0x1e5: {  	v9 =	vmul.f32 v9, v18;
	v11 =	vadd.f32 $-1.000000000e+00, v11;
	v59 =	vpop (erf)  }
0x1e6: {  	[tilespmem:s18+$0xFFFFFFE0] =	vst v8;
	v57 =	vmul.f32 v10, v19;
	v6 =	vmul.f32 v59, v6  }
0x1e7: {  	v7 =	vadd.f32 $-1.000000000e+00, v7;
	[tilespmem:s20+$0xFFFFFFF0] =	vst v9;
	v10 =	vmul.f32 v58, v11  }
0x1e8: {  	[tilespmem:s20+$0x0] =	vst v57;
	v60 =	vadd.f32 $-1.000000000e+00, v53;
	v61 =	vpop (erf)  }
0x1e9: {  	v62 =	vadd.f32 $-1.000000000e+00, v55;
	[tilespmem:s19+$0xFFFFFFE0] =	vst v10;
	v7 =	vmul.f32 v61, v7;
	v63 =	vpop (erf)  }
0x1ea: {  	[tilespmem:s18+$0xFFFFFFF0] =	vst v6;
	v8 =	vmul.f32 v63, v60;
	v6 =	vpop (erf)  }
0x1eb: {  	s17 =	sadd.s32 $0x1, s17;
	[tilespmem:s18+$0x0] =	vst v7;
	v6 =	vmul.f32 v6, v62  }
0x1ec: {  	p0 =	sne.s32 s17, s9;
	[tilespmem:s19+$0xFFFFFFF0] =	vst v8  }
.Ltmp1:
0x1ed: {  	[tilespmem:s19+$0x0] =	vst v6;
	(pc) =	sbr.rel @p0 .LBB2_1-.Ltmp1, $4  }
0x1ee: {  	[hbm4b:s8+s6] =	stream.linear.scatter [tilespmem:s15], [sflag:$0x2], $0x1000, $0x38;
	[tilespmem:$0x11200] =	vst v63  }
0x1ef: {  	_ =	swait.ge [sflag:s16], $0x1000  }
0x1f0: {  	[sflag:s16] =	ssyncset.done $0x0  }
0x1f1: {  	[sflag:s16] =	ssyncadd.s32 $0xFFFFF000  }
0x1f2: {  	_ =	sfence.sel $0x180000  }
0x1f3: {  	[bflag:$0x0] =	sbarrier.arrive $0xFFFF  }
0x1f4: {  	p0 =	sne.s32 s4, $0x0;
	_ =	strace $0x90000047  }
0x1f5: {  	s0 =	sadd.s32 @!p0 $0x100000, s0;
	[bflag:$0x2] =	sbarrier.arrive $0xFFFF  }
0x1f6: {  	[sflag:s0] =	ssyncadd.tile.s32 @!p0 $0x1;
	_ =	shalt  }
.Lfunc_end2:
_tile_overlayer_lowered:
.L_overlay_start_2:
0x1f7: {  	(tag) =	ssettag $0x2  }
0x1f8: {  	s0 =	rddreg [dreg:$0x0];
	s2 =	stileid.u32  }
0x1f9: {  	s1 =	rddreg [dreg:$0x1];
	p0 =	sne.s32 s2, $0x0  }
0x1fa: {  	s3 =	rddreg [dreg:$0x2];
	[bflag:$0x3] =	sbarrier.arrive $0xFFFF;
	s2 =	simm.s32 @!p0 $0x1C02  }
0x1fb: {  	[timem:s3], [sflag:s2] =	dma.local @!p0 [hbm:s0], s1  }
0x1fc: {  	s0 =	simm.s32 @!p0 $0x2  }
0x1fd: {  	_ =	swait.ge @!p0 [sflag:s0], s1  }
0x1fe: {  	s1 =	ssub.s32 @!p0 $0x0, s1;
	[sflag:s0] =	ssyncset.done @!p0 $0x0  }
0x1ff: {  	[sflag:s0] =	ssyncadd.s32 @!p0 s1  }
0x200: {  	[bflag:$0x3] =	sbarrier.arrive $0xFFFF  }
0x201: {  	_ =	shalt  }

</sc_bundles>
